<compile_context>
chip_gen: v7x
topology: tpu7x:2x2x1
jax: 0.10.2.dev20260603
libtpu: 0.0.44.dev20260713+nightly
codegen_flags: <defaults>
</compile_context>

<pallas_src>
import functools
import jax
import jax.numpy as jnp
from jax import lax
from jax.experimental import pallas as pl
from jax.experimental.pallas import tpu as pltpu
from jax.experimental.pallas import tpu_sc as plsc

_NC = 2
_NS = 16
_L = 16
_NW = _NC * _NS

_COLS = 2048
_ROWS = 4 * 4096
_WR = _ROWS // _NW
_CR = 8
_NCH = _WR // _CR


def _pwl_body(x_hbm, p_hbm, out_hbm,
              p_v, in0, in1, ot0, ot1,
              sem_i0, sem_i1, sem_o0, sem_o1):
    wid = lax.axis_index("s") * _NC + lax.axis_index("c")
    base = wid * _WR

    pltpu.sync_copy(p_hbm, p_v)
    p = p_v[...]

    def bcast(j):
        return jnp.take(p, jnp.full((_L,), j, jnp.int32), mode="wrap")

    bl = bcast(0)
    br = bcast(1)
    kl = bcast(2)
    kr = bcast(3)
    nh = [bcast(4 + j) for j in range(5)]
    il = (br - bl) * jnp.float32(0.25)
    inv_il = jnp.float32(1.0) / il
    s = [(nh[j + 1] - nh[j]) * inv_il for j in range(4)]
    slopes = [kl] + s + [kr]
    anchor_x = [bl] + [bl + il * jnp.float32(j) for j in range(4)] + [br]
    anchor_y = [nh[0]] + [nh[j] for j in range(4)] + [nh[4]]
    inter = [anchor_y[j] - slopes[j] * anchor_x[j] for j in range(6)]

    lane = lax.iota(jnp.int32, _L)
    av = slopes[0]
    cv = inter[0]
    for j in range(1, 6):
        av = jnp.where(lane == j, slopes[j], av)
        cv = jnp.where(lane == j, inter[j], cv)

    off = jnp.float32(1.0) - bl * inv_il
    zero_f = jnp.full((_L,), 0.0, jnp.float32)
    five_f = jnp.full((_L,), 5.0, jnp.float32)

    ins = (in0, in1)
    outs = (ot0, ot1)
    sem_i = (sem_i0, sem_i1)
    sem_o = (sem_o0, sem_o1)

    def load(c, b):
        return pltpu.make_async_copy(
            x_hbm.at[pl.ds(base + c * _CR, _CR), :], ins[b], sem_i[b])

    def store(c, b):
        return pltpu.make_async_copy(
            outs[b], out_hbm.at[pl.ds(base + c * _CR, _CR), :], sem_o[b])

    load(0, 0).start()
    load(1, 1).start()

    def pair_body(g, carry):
        for b in (0, 1):
            c = g * 2 + b
            load(c, b).wait()

            @pl.when(c >= 2)
            def _():
                store(c - 2, b).wait()

            src = ins[b]
            dst = outs[b]

            @plsc.parallel_loop(0, _CR * _COLS, step=_L, unroll=16)
            def _(i):
                r = i >> 11
                j = pl.multiple_of(i & (_COLS - _L), _L)
                x = src[r, pl.ds(j, _L)]
                u = x * inv_il + off
                bb = jnp.clip(u, zero_f, five_f).astype(jnp.int32)
                a = jnp.take(av, bb, mode="wrap")
                cc = jnp.take(cv, bb, mode="wrap")
                dst[r, pl.ds(j, _L)] = a * x + cc

            store(c, b).start()

            @pl.when(c + 2 < _NCH)
            def _():
                load(c + 2, b).start()
        return carry

    lax.fori_loop(0, _NCH // 2, pair_body, 0)
    store(_NCH - 2, 0).wait()
    store(_NCH - 1, 1).wait()


@jax.jit
def _pwl(x, p):
    mesh = plsc.VectorSubcoreMesh(core_axis_name="c", subcore_axis_name="s")
    fn = pl.kernel(
        _pwl_body,
        out_type=jax.ShapeDtypeStruct((_ROWS, _COLS), jnp.float32),
        mesh=mesh,
        scratch_types=[
            pltpu.VMEM((_L,), jnp.float32),
            pltpu.VMEM((_CR, _COLS), jnp.float32),
            pltpu.VMEM((_CR, _COLS), jnp.float32),
            pltpu.VMEM((_CR, _COLS), jnp.float32),
            pltpu.VMEM((_CR, _COLS), jnp.float32),
            pltpu.SemaphoreType.DMA,
            pltpu.SemaphoreType.DMA,
            pltpu.SemaphoreType.DMA,
            pltpu.SemaphoreType.DMA,
        ],
    )
    return fn(x, p)


def kernel(inputs, Bounds, BoundSlope, nheight):
    x = inputs.reshape(_ROWS, _COLS)
    p = jnp.concatenate(
        [Bounds, BoundSlope, nheight, jnp.zeros((7,), jnp.float32)]
    )
    out = _pwl(x, p)
    return out.reshape(inputs.shape)

# --- scband reference (transcript-rebuilt; emitter-appended) ---
"""Pipeline reference for scband-piecewise-linear-unit-v1-43215960933188 (READ-ONLY COPY).

The authoritative reference and input builder live on the scoring server;
editing this copy changes nothing except your own understanding.
"""

import jax, jax.numpy as jnp
import numpy as np

K = 5


def setup_inputs(seed: int = 0) -> dict:
    key = jax.random.key(seed)
    kx, = jax.random.split(key, 1)
    x = jax.random.normal(kx, (4, 4096, 2048), dtype=jnp.float32)
    # build-time init: ravg=0.0, rstd=10/3 -> l=-10, r=10
    l, r = -10.0, 10.0
    Bounds = jnp.array([l, r], dtype=jnp.float32)
    BoundSlope = jnp.array([0.0, 1.0], dtype=jnp.float32)
    nheight = jnp.maximum(jnp.linspace(l, r, K), 0.0).astype(jnp.float32)
    return {"inputs": x, "Bounds": Bounds, "BoundSlope": BoundSlope, "nheight": nheight}


def reference(inputs, Bounds, BoundSlope, nheight):
    intervals = K - 1
    Bl = Bounds[0]
    Br = Bounds[1]
    Kl = BoundSlope[0]
    Kr = BoundSlope[1]
    interval_length = (Br - Bl) / intervals
    idx_f = jnp.clip(jnp.floor((inputs - Bl) / interval_length), 0.0, float(K - 1))
    Bidx = idx_f * interval_length + Bl
    idx = idx_f.astype(jnp.int32)
    # TF gathers nheight[idx+1]; out-of-range only occurs where the b3 mask is
    # zero, so clamping (JAX's default gather semantics) preserves the math.
    Yidx1 = jnp.take(nheight, jnp.clip(idx + 1, 0, K - 1), axis=0)
    Yidx0 = jnp.take(nheight, idx, axis=0)
    Kidx = (Yidx1 - Yidx0) / interval_length
    b1 = (inputs < Bl).astype(inputs.dtype)
    b2 = (inputs >= Br).astype(inputs.dtype)
    b3 = ((inputs >= Bl) & (inputs < Br)).astype(inputs.dtype)
    l1 = (inputs - Bl) * Kl + nheight[0]
    l2 = (inputs - Br) * Kr + nheight[-1]
    l3 = (inputs - Bidx) * Kidx + Yidx0
    return b1 * l1 + b2 * l2 + b3 * l3

if __name__ == "__main__":
    import jax
    _d = setup_inputs()
    print(jax.jit(kernel)(*tuple(_d.values())))

</pallas_src>

<mosaic_0001>
#map = affine_map<(d0, d1) -> (0, 0)>
#map1 = affine_map<(d0, d1) -> (0)>
module attributes {stable_mosaic.version = 14 : i64} {
  func.func @_pwl_body(%arg0: i32, %arg1: i32, %arg2: memref<16384x2048xf32, #tpu.memory_space<hbm>>, %arg3: memref<16xf32, #tpu.memory_space<hbm>>, %arg4: memref<16384x2048xf32, #tpu.memory_space<hbm>>, %arg5: memref<16xf32, #tpu.memory_space<vmem>>, %arg6: memref<8x2048xf32, #tpu.memory_space<vmem>>, %arg7: memref<8x2048xf32, #tpu.memory_space<vmem>>, %arg8: memref<8x2048xf32, #tpu.memory_space<vmem>>, %arg9: memref<8x2048xf32, #tpu.memory_space<vmem>>, %arg10: memref<!tpu.dma_semaphore, #tpu.memory_space<semaphore_mem>>, %arg11: memref<!tpu.dma_semaphore, #tpu.memory_space<semaphore_mem>>, %arg12: memref<!tpu.dma_semaphore, #tpu.memory_space<semaphore_mem>>, %arg13: memref<!tpu.dma_semaphore, #tpu.memory_space<semaphore_mem>>) attributes {dimension_semantics = [#tpu.dimension_semantics<core_parallel>, #tpu.dimension_semantics<subcore_parallel>], iteration_bounds = array<i64: 2, 16>, scalar_prefetch = 0 : i64, scratch_operands = 9 : i64, tpu.core_type = #tpu.core_type<sc_vector_subcore>, window_params = [{transform_indices = #map}, {transform_indices = #map1}, {transform_indices = #map}]} {
    %mul3A = arith.constant 2 : i32
    %mul3A_0 = arith.muli %arg1, %mul3A : i32
    %add3A = arith.addi %mul3A_0, %arg0 : i32
    %mul3A_1 = arith.constant 512 : i32
    %mul3A_2 = arith.muli %add3A, %mul3A_1 : i32
    "tpu.region"() ({
      %run_scoped3A = tpu.sem_alloc : memref<!tpu.dma_semaphore, #tpu.memory_space<semaphore_mem>>
      tpu.enqueue_dma source(%arg3 : memref<16xf32, #tpu.memory_space<hbm>>) target(%arg5 : memref<16xf32, #tpu.memory_space<vmem>>) target_semaphore(%run_scoped3A : memref<!tpu.dma_semaphore, #tpu.memory_space<semaphore_mem>>)
      tpu.wait_dma2 semaphore(%run_scoped3A : memref<!tpu.dma_semaphore, #tpu.memory_space<semaphore_mem>>) src(%arg3 : memref<16xf32, #tpu.memory_space<hbm>>) dst(%arg5 : memref<16xf32, #tpu.memory_space<vmem>>)
      tpu.yield
    }) : () -> ()
    %get3A = arith.constant 0 : index
    %get3A_3 = tpu.vector_load %arg5[%get3A] {strides = array<i32>} : memref<16xf32, #tpu.memory_space<vmem>>, vector<16xf32>,
    %get3A_4 = vector.shape_cast %get3A_3 : vector<16xf32> to vector<16xf32>
    %broadcast_in_dim3A = arith.constant 0 : i32
    %broadcast_in_dim3A_5 = vector.broadcast %broadcast_in_dim3A : i32 to vector<16xi32>
    %jit3A = arith.constant 16 : i32
    %eq3A = arith.constant 0 : i32
    %eq3A_6 = arith.cmpi eq, %jit3A, %eq3A : i32
    %jit3A_7 = arith.constant 1 : i32
    %select_n3A = arith.select %eq3A_6, %jit3A_7, %jit3A : i32
    %rem3A = vector.broadcast %select_n3A : i32 to vector<16xi32>
    %rem3A_8 = arith.remsi %broadcast_in_dim3A_5, %rem3A : vector<16xi32>
    %ne3A = arith.constant 0 : i32
    %ne3A_9 = vector.broadcast %ne3A : i32 to vector<16xi32>
    %ne3A_10 = arith.cmpi ne, %rem3A_8, %ne3A_9 : vector<16xi32>
    %lt3A = arith.constant 0 : i32
    %lt3A_11 = vector.broadcast %lt3A : i32 to vector<16xi32>
    %lt3A_12 = arith.cmpi slt, %rem3A_8, %lt3A_11 : vector<16xi32>
    %lt3A_13 = arith.constant 0 : i32
    %lt3A_14 = arith.cmpi slt, %select_n3A, %lt3A_13 : i32
    %ne3A_15 = vector.broadcast %lt3A_14 : i1 to vector<16xi1>
    %ne3A_16 = vector.broadcast %ne3A_15 : vector<16xi1> to vector<16xi1>
    %ne3A_17 = arith.xori %lt3A_12, %ne3A_16 : vector<16xi1>
    %and3A = arith.andi %ne3A_17, %ne3A_10 : vector<16xi1>
    %add3A_18 = vector.broadcast %select_n3A : i32 to vector<16xi32>
    %add3A_19 = arith.addi %rem3A_8, %add3A_18 : vector<16xi32>
    %select_n3A_20 = arith.select %and3A, %add3A_19, %rem3A_8 : vector<16xi1>, vector<16xi32>
    %broadcast_in_dim3A_21 = vector.shape_cast %select_n3A_20 : vector<16xi32> to vector<16x1xi32>
    %gather3A = vector.shape_cast %broadcast_in_dim3A_21 : vector<16x1xi32> to vector<16xi32>
    %gather3A_22 = tpu.dynamic_gather %get3A_4[%gather3A] in [0] : vector<16xf32>, vector<16xi32> -> vector<16xf32>
    %broadcast_in_dim3A_23 = arith.constant 1 : i32
    %broadcast_in_dim3A_24 = vector.broadcast %broadcast_in_dim3A_23 : i32 to vector<16xi32>
    %jit3A_25 = arith.constant 16 : i32
    %eq3A_26 = arith.constant 0 : i32
    %eq3A_27 = arith.cmpi eq, %jit3A_25, %eq3A_26 : i32
    %jit3A_28 = arith.constant 1 : i32
    %select_n3A_29 = arith.select %eq3A_27, %jit3A_28, %jit3A_25 : i32
    %rem3A_30 = vector.broadcast %select_n3A_29 : i32 to vector<16xi32>
    %rem3A_31 = arith.remsi %broadcast_in_dim3A_24, %rem3A_30 : vector<16xi32>
    %ne3A_32 = arith.constant 0 : i32
    %ne3A_33 = vector.broadcast %ne3A_32 : i32 to vector<16xi32>
    %ne3A_34 = arith.cmpi ne, %rem3A_31, %ne3A_33 : vector<16xi32>
    %lt3A_35 = arith.constant 0 : i32
    %lt3A_36 = vector.broadcast %lt3A_35 : i32 to vector<16xi32>
    %lt3A_37 = arith.cmpi slt, %rem3A_31, %lt3A_36 : vector<16xi32>
    %lt3A_38 = arith.constant 0 : i32
    %lt3A_39 = arith.cmpi slt, %select_n3A_29, %lt3A_38 : i32
    %ne3A_40 = vector.broadcast %lt3A_39 : i1 to vector<16xi1>
    %ne3A_41 = vector.broadcast %ne3A_40 : vector<16xi1> to vector<16xi1>
    %ne3A_42 = arith.xori %lt3A_37, %ne3A_41 : vector<16xi1>
    %and3A_43 = arith.andi %ne3A_42, %ne3A_34 : vector<16xi1>
    %add3A_44 = vector.broadcast %select_n3A_29 : i32 to vector<16xi32>
    %add3A_45 = arith.addi %rem3A_31, %add3A_44 : vector<16xi32>
    %select_n3A_46 = arith.select %and3A_43, %add3A_45, %rem3A_31 : vector<16xi1>, vector<16xi32>
    %broadcast_in_dim3A_47 = vector.shape_cast %select_n3A_46 : vector<16xi32> to vector<16x1xi32>
    %gather3A_48 = vector.shape_cast %broadcast_in_dim3A_47 : vector<16x1xi32> to vector<16xi32>
    %gather3A_49 = tpu.dynamic_gather %get3A_4[%gather3A_48] in [0] : vector<16xf32>, vector<16xi32> -> vector<16xf32>
    %broadcast_in_dim3A_50 = arith.constant 2 : i32
    %broadcast_in_dim3A_51 = vector.broadcast %broadcast_in_dim3A_50 : i32 to vector<16xi32>
    %jit3A_52 = arith.constant 16 : i32
    %eq3A_53 = arith.constant 0 : i32
    %eq3A_54 = arith.cmpi eq, %jit3A_52, %eq3A_53 : i32
    %jit3A_55 = arith.constant 1 : i32
    %select_n3A_56 = arith.select %eq3A_54, %jit3A_55, %jit3A_52 : i32
    %rem3A_57 = vector.broadcast %select_n3A_56 : i32 to vector<16xi32>
    %rem3A_58 = arith.remsi %broadcast_in_dim3A_51, %rem3A_57 : vector<16xi32>
    %ne3A_59 = arith.constant 0 : i32
    %ne3A_60 = vector.broadcast %ne3A_59 : i32 to vector<16xi32>
    %ne3A_61 = arith.cmpi ne, %rem3A_58, %ne3A_60 : vector<16xi32>
    %lt3A_62 = arith.constant 0 : i32
    %lt3A_63 = vector.broadcast %lt3A_62 : i32 to vector<16xi32>
    %lt3A_64 = arith.cmpi slt, %rem3A_58, %lt3A_63 : vector<16xi32>
    %lt3A_65 = arith.constant 0 : i32
    %lt3A_66 = arith.cmpi slt, %select_n3A_56, %lt3A_65 : i32
    %ne3A_67 = vector.broadcast %lt3A_66 : i1 to vector<16xi1>
    %ne3A_68 = vector.broadcast %ne3A_67 : vector<16xi1> to vector<16xi1>
    %ne3A_69 = arith.xori %lt3A_64, %ne3A_68 : vector<16xi1>
    %and3A_70 = arith.andi %ne3A_69, %ne3A_61 : vector<16xi1>
    %add3A_71 = vector.broadcast %select_n3A_56 : i32 to vector<16xi32>
    %add3A_72 = arith.addi %rem3A_58, %add3A_71 : vector<16xi32>
    %select_n3A_73 = arith.select %and3A_70, %add3A_72, %rem3A_58 : vector<16xi1>, vector<16xi32>
    %broadcast_in_dim3A_74 = vector.shape_cast %select_n3A_73 : vector<16xi32> to vector<16x1xi32>
    %gather3A_75 = vector.shape_cast %broadcast_in_dim3A_74 : vector<16x1xi32> to vector<16xi32>
    %gather3A_76 = tpu.dynamic_gather %get3A_4[%gather3A_75] in [0] : vector<16xf32>, vector<16xi32> -> vector<16xf32>
    %broadcast_in_dim3A_77 = arith.constant 3 : i32
    %broadcast_in_dim3A_78 = vector.broadcast %broadcast_in_dim3A_77 : i32 to vector<16xi32>
    %jit3A_79 = arith.constant 16 : i32
    %eq3A_80 = arith.constant 0 : i32
    %eq3A_81 = arith.cmpi eq, %jit3A_79, %eq3A_80 : i32
    %jit3A_82 = arith.constant 1 : i32
    %select_n3A_83 = arith.select %eq3A_81, %jit3A_82, %jit3A_79 : i32
    %rem3A_84 = vector.broadcast %select_n3A_83 : i32 to vector<16xi32>
    %rem3A_85 = arith.remsi %broadcast_in_dim3A_78, %rem3A_84 : vector<16xi32>
    %ne3A_86 = arith.constant 0 : i32
    %ne3A_87 = vector.broadcast %ne3A_86 : i32 to vector<16xi32>
    %ne3A_88 = arith.cmpi ne, %rem3A_85, %ne3A_87 : vector<16xi32>
    %lt3A_89 = arith.constant 0 : i32
    %lt3A_90 = vector.broadcast %lt3A_89 : i32 to vector<16xi32>
    %lt3A_91 = arith.cmpi slt, %rem3A_85, %lt3A_90 : vector<16xi32>
    %lt3A_92 = arith.constant 0 : i32
    %lt3A_93 = arith.cmpi slt, %select_n3A_83, %lt3A_92 : i32
    %ne3A_94 = vector.broadcast %lt3A_93 : i1 to vector<16xi1>
    %ne3A_95 = vector.broadcast %ne3A_94 : vector<16xi1> to vector<16xi1>
    %ne3A_96 = arith.xori %lt3A_91, %ne3A_95 : vector<16xi1>
    %and3A_97 = arith.andi %ne3A_96, %ne3A_88 : vector<16xi1>
    %add3A_98 = vector.broadcast %select_n3A_83 : i32 to vector<16xi32>
    %add3A_99 = arith.addi %rem3A_85, %add3A_98 : vector<16xi32>
    %select_n3A_100 = arith.select %and3A_97, %add3A_99, %rem3A_85 : vector<16xi1>, vector<16xi32>
    %broadcast_in_dim3A_101 = vector.shape_cast %select_n3A_100 : vector<16xi32> to vector<16x1xi32>
    %gather3A_102 = vector.shape_cast %broadcast_in_dim3A_101 : vector<16x1xi32> to vector<16xi32>
    %gather3A_103 = tpu.dynamic_gather %get3A_4[%gather3A_102] in [0] : vector<16xf32>, vector<16xi32> -> vector<16xf32>
    %broadcast_in_dim3A_104 = arith.constant 4 : i32
    %broadcast_in_dim3A_105 = vector.broadcast %broadcast_in_dim3A_104 : i32 to vector<16xi32>
    %jit3A_106 = arith.constant 16 : i32
    %eq3A_107 = arith.constant 0 : i32
    %eq3A_108 = arith.cmpi eq, %jit3A_106, %eq3A_107 : i32
    %jit3A_109 = arith.constant 1 : i32
    %select_n3A_110 = arith.select %eq3A_108, %jit3A_109, %jit3A_106 : i32
    %rem3A_111 = vector.broadcast %select_n3A_110 : i32 to vector<16xi32>
    %rem3A_112 = arith.remsi %broadcast_in_dim3A_105, %rem3A_111 : vector<16xi32>
    %ne3A_113 = arith.constant 0 : i32
    %ne3A_114 = vector.broadcast %ne3A_113 : i32 to vector<16xi32>
    %ne3A_115 = arith.cmpi ne, %rem3A_112, %ne3A_114 : vector<16xi32>
    %lt3A_116 = arith.constant 0 : i32
    %lt3A_117 = vector.broadcast %lt3A_116 : i32 to vector<16xi32>
    %lt3A_118 = arith.cmpi slt, %rem3A_112, %lt3A_117 : vector<16xi32>
    %lt3A_119 = arith.constant 0 : i32
    %lt3A_120 = arith.cmpi slt, %select_n3A_110, %lt3A_119 : i32
    %ne3A_121 = vector.broadcast %lt3A_120 : i1 to vector<16xi1>
    %ne3A_122 = vector.broadcast %ne3A_121 : vector<16xi1> to vector<16xi1>
    %ne3A_123 = arith.xori %lt3A_118, %ne3A_122 : vector<16xi1>
    %and3A_124 = arith.andi %ne3A_123, %ne3A_115 : vector<16xi1>
    %add3A_125 = vector.broadcast %select_n3A_110 : i32 to vector<16xi32>
    %add3A_126 = arith.addi %rem3A_112, %add3A_125 : vector<16xi32>
    %select_n3A_127 = arith.select %and3A_124, %add3A_126, %rem3A_112 : vector<16xi1>, vector<16xi32>
    %broadcast_in_dim3A_128 = vector.shape_cast %select_n3A_127 : vector<16xi32> to vector<16x1xi32>
    %gather3A_129 = vector.shape_cast %broadcast_in_dim3A_128 : vector<16x1xi32> to vector<16xi32>
    %gather3A_130 = tpu.dynamic_gather %get3A_4[%gather3A_129] in [0] : vector<16xf32>, vector<16xi32> -> vector<16xf32>
    %broadcast_in_dim3A_131 = arith.constant 5 : i32
    %broadcast_in_dim3A_132 = vector.broadcast %broadcast_in_dim3A_131 : i32 to vector<16xi32>
    %jit3A_133 = arith.constant 16 : i32
    %eq3A_134 = arith.constant 0 : i32
    %eq3A_135 = arith.cmpi eq, %jit3A_133, %eq3A_134 : i32
    %jit3A_136 = arith.constant 1 : i32
    %select_n3A_137 = arith.select %eq3A_135, %jit3A_136, %jit3A_133 : i32
    %rem3A_138 = vector.broadcast %select_n3A_137 : i32 to vector<16xi32>
    %rem3A_139 = arith.remsi %broadcast_in_dim3A_132, %rem3A_138 : vector<16xi32>
    %ne3A_140 = arith.constant 0 : i32
    %ne3A_141 = vector.broadcast %ne3A_140 : i32 to vector<16xi32>
    %ne3A_142 = arith.cmpi ne, %rem3A_139, %ne3A_141 : vector<16xi32>
    %lt3A_143 = arith.constant 0 : i32
    %lt3A_144 = vector.broadcast %lt3A_143 : i32 to vector<16xi32>
    %lt3A_145 = arith.cmpi slt, %rem3A_139, %lt3A_144 : vector<16xi32>
    %lt3A_146 = arith.constant 0 : i32
    %lt3A_147 = arith.cmpi slt, %select_n3A_137, %lt3A_146 : i32
    %ne3A_148 = vector.broadcast %lt3A_147 : i1 to vector<16xi1>
    %ne3A_149 = vector.broadcast %ne3A_148 : vector<16xi1> to vector<16xi1>
    %ne3A_150 = arith.xori %lt3A_145, %ne3A_149 : vector<16xi1>
    %and3A_151 = arith.andi %ne3A_150, %ne3A_142 : vector<16xi1>
    %add3A_152 = vector.broadcast %select_n3A_137 : i32 to vector<16xi32>
    %add3A_153 = arith.addi %rem3A_139, %add3A_152 : vector<16xi32>
    %select_n3A_154 = arith.select %and3A_151, %add3A_153, %rem3A_139 : vector<16xi1>, vector<16xi32>
    %broadcast_in_dim3A_155 = vector.shape_cast %select_n3A_154 : vector<16xi32> to vector<16x1xi32>
    %gather3A_156 = vector.shape_cast %broadcast_in_dim3A_155 : vector<16x1xi32> to vector<16xi32>
    %gather3A_157 = tpu.dynamic_gather %get3A_4[%gather3A_156] in [0] : vector<16xf32>, vector<16xi32> -> vector<16xf32>
    %broadcast_in_dim3A_158 = arith.constant 6 : i32
    %broadcast_in_dim3A_159 = vector.broadcast %broadcast_in_dim3A_158 : i32 to vector<16xi32>
    %jit3A_160 = arith.constant 16 : i32
    %eq3A_161 = arith.constant 0 : i32
    %eq3A_162 = arith.cmpi eq, %jit3A_160, %eq3A_161 : i32
    %jit3A_163 = arith.constant 1 : i32
    %select_n3A_164 = arith.select %eq3A_162, %jit3A_163, %jit3A_160 : i32
    %rem3A_165 = vector.broadcast %select_n3A_164 : i32 to vector<16xi32>
    %rem3A_166 = arith.remsi %broadcast_in_dim3A_159, %rem3A_165 : vector<16xi32>
    %ne3A_167 = arith.constant 0 : i32
    %ne3A_168 = vector.broadcast %ne3A_167 : i32 to vector<16xi32>
    %ne3A_169 = arith.cmpi ne, %rem3A_166, %ne3A_168 : vector<16xi32>
    %lt3A_170 = arith.constant 0 : i32
    %lt3A_171 = vector.broadcast %lt3A_170 : i32 to vector<16xi32>
    %lt3A_172 = arith.cmpi slt, %rem3A_166, %lt3A_171 : vector<16xi32>
    %lt3A_173 = arith.constant 0 : i32
    %lt3A_174 = arith.cmpi slt, %select_n3A_164, %lt3A_173 : i32
    %ne3A_175 = vector.broadcast %lt3A_174 : i1 to vector<16xi1>
    %ne3A_176 = vector.broadcast %ne3A_175 : vector<16xi1> to vector<16xi1>
    %ne3A_177 = arith.xori %lt3A_172, %ne3A_176 : vector<16xi1>
    %and3A_178 = arith.andi %ne3A_177, %ne3A_169 : vector<16xi1>
    %add3A_179 = vector.broadcast %select_n3A_164 : i32 to vector<16xi32>
    %add3A_180 = arith.addi %rem3A_166, %add3A_179 : vector<16xi32>
    %select_n3A_181 = arith.select %and3A_178, %add3A_180, %rem3A_166 : vector<16xi1>, vector<16xi32>
    %broadcast_in_dim3A_182 = vector.shape_cast %select_n3A_181 : vector<16xi32> to vector<16x1xi32>
    %gather3A_183 = vector.shape_cast %broadcast_in_dim3A_182 : vector<16x1xi32> to vector<16xi32>
    %gather3A_184 = tpu.dynamic_gather %get3A_4[%gather3A_183] in [0] : vector<16xf32>, vector<16xi32> -> vector<16xf32>
    %broadcast_in_dim3A_185 = arith.constant 7 : i32
    %broadcast_in_dim3A_186 = vector.broadcast %broadcast_in_dim3A_185 : i32 to vector<16xi32>
    %jit3A_187 = arith.constant 16 : i32
    %eq3A_188 = arith.constant 0 : i32
    %eq3A_189 = arith.cmpi eq, %jit3A_187, %eq3A_188 : i32
    %jit3A_190 = arith.constant 1 : i32
    %select_n3A_191 = arith.select %eq3A_189, %jit3A_190, %jit3A_187 : i32
    %rem3A_192 = vector.broadcast %select_n3A_191 : i32 to vector<16xi32>
    %rem3A_193 = arith.remsi %broadcast_in_dim3A_186, %rem3A_192 : vector<16xi32>
    %ne3A_194 = arith.constant 0 : i32
    %ne3A_195 = vector.broadcast %ne3A_194 : i32 to vector<16xi32>
    %ne3A_196 = arith.cmpi ne, %rem3A_193, %ne3A_195 : vector<16xi32>
    %lt3A_197 = arith.constant 0 : i32
    %lt3A_198 = vector.broadcast %lt3A_197 : i32 to vector<16xi32>
    %lt3A_199 = arith.cmpi slt, %rem3A_193, %lt3A_198 : vector<16xi32>
    %lt3A_200 = arith.constant 0 : i32
    %lt3A_201 = arith.cmpi slt, %select_n3A_191, %lt3A_200 : i32
    %ne3A_202 = vector.broadcast %lt3A_201 : i1 to vector<16xi1>
    %ne3A_203 = vector.broadcast %ne3A_202 : vector<16xi1> to vector<16xi1>
    %ne3A_204 = arith.xori %lt3A_199, %ne3A_203 : vector<16xi1>
    %and3A_205 = arith.andi %ne3A_204, %ne3A_196 : vector<16xi1>
    %add3A_206 = vector.broadcast %select_n3A_191 : i32 to vector<16xi32>
    %add3A_207 = arith.addi %rem3A_193, %add3A_206 : vector<16xi32>
    %select_n3A_208 = arith.select %and3A_205, %add3A_207, %rem3A_193 : vector<16xi1>, vector<16xi32>
    %broadcast_in_dim3A_209 = vector.shape_cast %select_n3A_208 : vector<16xi32> to vector<16x1xi32>
    %gather3A_210 = vector.shape_cast %broadcast_in_dim3A_209 : vector<16x1xi32> to vector<16xi32>
    %gather3A_211 = tpu.dynamic_gather %get3A_4[%gather3A_210] in [0] : vector<16xf32>, vector<16xi32> -> vector<16xf32>
    %broadcast_in_dim3A_212 = arith.constant 8 : i32
    %broadcast_in_dim3A_213 = vector.broadcast %broadcast_in_dim3A_212 : i32 to vector<16xi32>
    %jit3A_214 = arith.constant 16 : i32
    %eq3A_215 = arith.constant 0 : i32
    %eq3A_216 = arith.cmpi eq, %jit3A_214, %eq3A_215 : i32
    %jit3A_217 = arith.constant 1 : i32
    %select_n3A_218 = arith.select %eq3A_216, %jit3A_217, %jit3A_214 : i32
    %rem3A_219 = vector.broadcast %select_n3A_218 : i32 to vector<16xi32>
    %rem3A_220 = arith.remsi %broadcast_in_dim3A_213, %rem3A_219 : vector<16xi32>
    %ne3A_221 = arith.constant 0 : i32
    %ne3A_222 = vector.broadcast %ne3A_221 : i32 to vector<16xi32>
    %ne3A_223 = arith.cmpi ne, %rem3A_220, %ne3A_222 : vector<16xi32>
    %lt3A_224 = arith.constant 0 : i32
    %lt3A_225 = vector.broadcast %lt3A_224 : i32 to vector<16xi32>
    %lt3A_226 = arith.cmpi slt, %rem3A_220, %lt3A_225 : vector<16xi32>
    %lt3A_227 = arith.constant 0 : i32
    %lt3A_228 = arith.cmpi slt, %select_n3A_218, %lt3A_227 : i32
    %ne3A_229 = vector.broadcast %lt3A_228 : i1 to vector<16xi1>
    %ne3A_230 = vector.broadcast %ne3A_229 : vector<16xi1> to vector<16xi1>
    %ne3A_231 = arith.xori %lt3A_226, %ne3A_230 : vector<16xi1>
    %and3A_232 = arith.andi %ne3A_231, %ne3A_223 : vector<16xi1>
    %add3A_233 = vector.broadcast %select_n3A_218 : i32 to vector<16xi32>
    %add3A_234 = arith.addi %rem3A_220, %add3A_233 : vector<16xi32>
    %select_n3A_235 = arith.select %and3A_232, %add3A_234, %rem3A_220 : vector<16xi1>, vector<16xi32>
    %broadcast_in_dim3A_236 = vector.shape_cast %select_n3A_235 : vector<16xi32> to vector<16x1xi32>
    %gather3A_237 = vector.shape_cast %broadcast_in_dim3A_236 : vector<16x1xi32> to vector<16xi32>
    %gather3A_238 = tpu.dynamic_gather %get3A_4[%gather3A_237] in [0] : vector<16xf32>, vector<16xi32> -> vector<16xf32>
    %sub3A = arith.subf %gather3A_49, %gather3A_22 : vector<16xf32>
    %mul3A_239 = arith.constant 2.500000e-01 : f32
    %mul3A_240 = vector.broadcast %mul3A_239 : f32 to vector<16xf32>
    %mul3A_241 = arith.mulf %sub3A, %mul3A_240 : vector<16xf32>
    %div3A = arith.constant 1.000000e+00 : f32
    %div3A_242 = vector.broadcast %div3A : f32 to vector<16xf32>
    %div3A_243 = arith.divf %div3A_242, %mul3A_241 : vector<16xf32>
    %sub3A_244 = arith.subf %gather3A_157, %gather3A_130 : vector<16xf32>
    %mul3A_245 = arith.mulf %sub3A_244, %div3A_243 : vector<16xf32>
    %sub3A_246 = arith.subf %gather3A_184, %gather3A_157 : vector<16xf32>
    %mul3A_247 = arith.mulf %sub3A_246, %div3A_243 : vector<16xf32>
    %sub3A_248 = arith.subf %gather3A_211, %gather3A_184 : vector<16xf32>
    %mul3A_249 = arith.mulf %sub3A_248, %div3A_243 : vector<16xf32>
    %sub3A_250 = arith.subf %gather3A_238, %gather3A_211 : vector<16xf32>
    %mul3A_251 = arith.mulf %sub3A_250, %div3A_243 : vector<16xf32>
    %mul3A_252 = arith.constant 0.000000e+00 : f32
    %mul3A_253 = vector.broadcast %mul3A_252 : f32 to vector<16xf32>
    %mul3A_254 = arith.mulf %mul3A_241, %mul3A_253 : vector<16xf32>
    %add3A_255 = arith.addf %gather3A_22, %mul3A_254 : vector<16xf32>
    %mul3A_256 = arith.constant 1.000000e+00 : f32
    %mul3A_257 = vector.broadcast %mul3A_256 : f32 to vector<16xf32>
    %mul3A_258 = arith.mulf %mul3A_241, %mul3A_257 : vector<16xf32>
    %add3A_259 = arith.addf %gather3A_22, %mul3A_258 : vector<16xf32>
    %mul3A_260 = arith.constant 2.000000e+00 : f32
    %mul3A_261 = vector.broadcast %mul3A_260 : f32 to vector<16xf32>
    %mul3A_262 = arith.mulf %mul3A_241, %mul3A_261 : vector<16xf32>
    %add3A_263 = arith.addf %gather3A_22, %mul3A_262 : vector<16xf32>
    %mul3A_264 = arith.constant 3.000000e+00 : f32
    %mul3A_265 = vector.broadcast %mul3A_264 : f32 to vector<16xf32>
    %mul3A_266 = arith.mulf %mul3A_241, %mul3A_265 : vector<16xf32>
    %add3A_267 = arith.addf %gather3A_22, %mul3A_266 : vector<16xf32>
    %mul3A_268 = arith.mulf %gather3A_76, %gather3A_22 : vector<16xf32>
    %sub3A_269 = arith.subf %gather3A_130, %mul3A_268 : vector<16xf32>
    %mul3A_270 = arith.mulf %mul3A_245, %add3A_255 : vector<16xf32>
    %sub3A_271 = arith.subf %gather3A_130, %mul3A_270 : vector<16xf32>
    %mul3A_272 = arith.mulf %mul3A_247, %add3A_259 : vector<16xf32>
    %sub3A_273 = arith.subf %gather3A_157, %mul3A_272 : vector<16xf32>
    %mul3A_274 = arith.mulf %mul3A_249, %add3A_263 : vector<16xf32>
    %sub3A_275 = arith.subf %gather3A_184, %mul3A_274 : vector<16xf32>
    %mul3A_276 = arith.mulf %mul3A_251, %add3A_267 : vector<16xf32>
    %sub3A_277 = arith.subf %gather3A_211, %mul3A_276 : vector<16xf32>
    %mul3A_278 = arith.mulf %gather3A_103, %gather3A_49 : vector<16xf32>
    %sub3A_279 = arith.subf %gather3A_238, %mul3A_278 : vector<16xf32>
    %iota3A = tpu.iota {dimensions = array<i32: 0>} : vector<16xi32>
    %eq3A_280 = arith.constant 1 : i32
    %eq3A_281 = vector.broadcast %eq3A_280 : i32 to vector<16xi32>
    %eq3A_282 = arith.cmpi eq, %iota3A, %eq3A_281 : vector<16xi32>
    %select_n3A_283 = arith.select %eq3A_282, %mul3A_245, %gather3A_76 : vector<16xi1>, vector<16xf32>
    %eq3A_284 = arith.constant 1 : i32
    %eq3A_285 = vector.broadcast %eq3A_284 : i32 to vector<16xi32>
    %eq3A_286 = arith.cmpi eq, %iota3A, %eq3A_285 : vector<16xi32>
    %select_n3A_287 = arith.select %eq3A_286, %sub3A_271, %sub3A_269 : vector<16xi1>, vector<16xf32>
    %eq3A_288 = arith.constant 2 : i32
    %eq3A_289 = vector.broadcast %eq3A_288 : i32 to vector<16xi32>
    %eq3A_290 = arith.cmpi eq, %iota3A, %eq3A_289 : vector<16xi32>
    %select_n3A_291 = arith.select %eq3A_290, %mul3A_247, %select_n3A_283 : vector<16xi1>, vector<16xf32>
    %eq3A_292 = arith.constant 2 : i32
    %eq3A_293 = vector.broadcast %eq3A_292 : i32 to vector<16xi32>
    %eq3A_294 = arith.cmpi eq, %iota3A, %eq3A_293 : vector<16xi32>
    %select_n3A_295 = arith.select %eq3A_294, %sub3A_273, %select_n3A_287 : vector<16xi1>, vector<16xf32>
    %eq3A_296 = arith.constant 3 : i32
    %eq3A_297 = vector.broadcast %eq3A_296 : i32 to vector<16xi32>
    %eq3A_298 = arith.cmpi eq, %iota3A, %eq3A_297 : vector<16xi32>
    %select_n3A_299 = arith.select %eq3A_298, %mul3A_249, %select_n3A_291 : vector<16xi1>, vector<16xf32>
    %eq3A_300 = arith.constant 3 : i32
    %eq3A_301 = vector.broadcast %eq3A_300 : i32 to vector<16xi32>
    %eq3A_302 = arith.cmpi eq, %iota3A, %eq3A_301 : vector<16xi32>
    %select_n3A_303 = arith.select %eq3A_302, %sub3A_275, %select_n3A_295 : vector<16xi1>, vector<16xf32>
    %eq3A_304 = arith.constant 4 : i32
    %eq3A_305 = vector.broadcast %eq3A_304 : i32 to vector<16xi32>
    %eq3A_306 = arith.cmpi eq, %iota3A, %eq3A_305 : vector<16xi32>
    %select_n3A_307 = arith.select %eq3A_306, %mul3A_251, %select_n3A_299 : vector<16xi1>, vector<16xf32>
    %eq3A_308 = arith.constant 4 : i32
    %eq3A_309 = vector.broadcast %eq3A_308 : i32 to vector<16xi32>
    %eq3A_310 = arith.cmpi eq, %iota3A, %eq3A_309 : vector<16xi32>
    %select_n3A_311 = arith.select %eq3A_310, %sub3A_277, %select_n3A_303 : vector<16xi1>, vector<16xf32>
    %eq3A_312 = arith.constant 5 : i32
    %eq3A_313 = vector.broadcast %eq3A_312 : i32 to vector<16xi32>
    %eq3A_314 = arith.cmpi eq, %iota3A, %eq3A_313 : vector<16xi32>
    %select_n3A_315 = arith.select %eq3A_314, %gather3A_103, %select_n3A_307 : vector<16xi1>, vector<16xf32>
    %eq3A_316 = arith.constant 5 : i32
    %eq3A_317 = vector.broadcast %eq3A_316 : i32 to vector<16xi32>
    %eq3A_318 = arith.cmpi eq, %iota3A, %eq3A_317 : vector<16xi32>
    %select_n3A_319 = arith.select %eq3A_318, %sub3A_279, %select_n3A_311 : vector<16xi1>, vector<16xf32>
    %mul3A_320 = arith.mulf %gather3A_22, %div3A_243 : vector<16xf32>
    %sub3A_321 = arith.constant 1.000000e+00 : f32
    %sub3A_322 = vector.broadcast %sub3A_321 : f32 to vector<16xf32>
    %sub3A_323 = arith.subf %sub3A_322, %mul3A_320 : vector<16xf32>
    %broadcast_in_dim3A_324 = arith.constant 0.000000e+00 : f32
    %broadcast_in_dim3A_325 = vector.broadcast %broadcast_in_dim3A_324 : f32 to vector<16xf32>
    %broadcast_in_dim3A_326 = arith.constant 5.000000e+00 : f32
    %broadcast_in_dim3A_327 = vector.broadcast %broadcast_in_dim3A_326 : f32 to vector<16xf32>
    %add3A_328 = arith.constant 0 : i32
    %add3A_329 = arith.addi %mul3A_2, %add3A_328 : i32
    %dma_start3A = arith.constant 0 : i32
    %dma_start3A_330 = tpu.memref_slice %arg2[%add3A_329, %dma_start3A] : memref<16384x2048xf32, #tpu.memory_space<hbm>> -> memref<8x2048xf32, #tpu.memory_space<hbm>>
    %dma_start3A_331 = arith.constant 0 : i32
    %dma_start3A_332 = tpu.memref_slice %arg2[%add3A_329, %dma_start3A_331] : memref<16384x2048xf32, #tpu.memory_space<hbm>> -> memref<8x2048xf32, #tpu.memory_space<hbm>>
    tpu.enqueue_dma source(%dma_start3A_332 : memref<8x2048xf32, #tpu.memory_space<hbm>>) target(%arg6 : memref<8x2048xf32, #tpu.memory_space<vmem>>) target_semaphore(%arg10 : memref<!tpu.dma_semaphore, #tpu.memory_space<semaphore_mem>>)
    %add3A_333 = arith.constant 8 : i32
    %add3A_334 = arith.addi %mul3A_2, %add3A_333 : i32
    %dma_start3A_335 = arith.constant 0 : i32
    %dma_start3A_336 = tpu.memref_slice %arg2[%add3A_334, %dma_start3A_335] : memref<16384x2048xf32, #tpu.memory_space<hbm>> -> memref<8x2048xf32, #tpu.memory_space<hbm>>
    %dma_start3A_337 = arith.constant 0 : i32
    %dma_start3A_338 = tpu.memref_slice %arg2[%add3A_334, %dma_start3A_337] : memref<16384x2048xf32, #tpu.memory_space<hbm>> -> memref<8x2048xf32, #tpu.memory_space<hbm>>
    tpu.enqueue_dma source(%dma_start3A_338 : memref<8x2048xf32, #tpu.memory_space<hbm>>) target(%arg7 : memref<8x2048xf32, #tpu.memory_space<vmem>>) target_semaphore(%arg11 : memref<!tpu.dma_semaphore, #tpu.memory_space<semaphore_mem>>)
    %scan3A = arith.constant 0 : i32
    %scan3A_339 = arith.constant 0 : i32
    %scan3A_340 = arith.constant 32 : i32
    %scan3A_341 = arith.addi %scan3A_339, %scan3A_340 : i32
    %scan3A_342 = arith.constant 1 : i32
    scf.for %scan3A_355 = %scan3A_339 to %scan3A_341 step %scan3A_342  : i32 {
      %mul3A_356 = arith.constant 2 : i32
      %mul3A_357 = arith.muli %scan3A_355, %mul3A_356 : i32
      %add3A_358 = arith.constant 0 : i32
      %add3A_359 = arith.addi %mul3A_357, %add3A_358 : i32
      %mul3A_360 = arith.constant 8 : i32
      %mul3A_361 = arith.muli %add3A_359, %mul3A_360 : i32
      %add3A_362 = arith.addi %mul3A_2, %mul3A_361 : i32
      %dma_wait3A_363 = arith.constant 0 : i32
      %dma_wait3A_364 = tpu.memref_slice %arg2[%add3A_362, %dma_wait3A_363] : memref<16384x2048xf32, #tpu.memory_space<hbm>> -> memref<8x2048xf32, #tpu.memory_space<hbm>>
      %dma_wait3A_365 = arith.constant 0 : i32
      %dma_wait3A_366 = tpu.memref_slice %arg2[%add3A_362, %dma_wait3A_365] : memref<16384x2048xf32, #tpu.memory_space<hbm>> -> memref<8x2048xf32, #tpu.memory_space<hbm>>
      tpu.wait_dma2 semaphore(%arg10 : memref<!tpu.dma_semaphore, #tpu.memory_space<semaphore_mem>>) src(%dma_wait3A_366 : memref<8x2048xf32, #tpu.memory_space<hbm>>) dst(%arg6 : memref<8x2048xf32, #tpu.memory_space<vmem>>)
      %ge3A = arith.constant 2 : i32
      %ge3A_367 = arith.cmpi sge, %add3A_359, %ge3A : i32
      %convert_element_type3A = arith.extui %ge3A_367 : i1 to i32
      %cond3A = arith.constant 0 : i32
      %cond3A_368 = arith.cmpi ne, %convert_element_type3A, %cond3A : i32
      scf.if %cond3A_368 {
        %sub3A_418 = arith.constant 2 : i32
        %sub3A_419 = arith.subi %add3A_359, %sub3A_418 : i32
        %mul3A_420 = arith.constant 8 : i32
        %mul3A_421 = arith.muli %sub3A_419, %mul3A_420 : i32
        %add3A_422 = arith.addi %mul3A_2, %mul3A_421 : i32
        %dma_wait3A_423 = arith.constant 0 : i32
        %dma_wait3A_424 = tpu.memref_slice %arg4[%add3A_422, %dma_wait3A_423] : memref<16384x2048xf32, #tpu.memory_space<hbm>> -> memref<8x2048xf32, #tpu.memory_space<hbm>>
        %dma_wait3A_425 = arith.constant 0 : i32
        %dma_wait3A_426 = tpu.memref_slice %arg4[%add3A_422, %dma_wait3A_425] : memref<16384x2048xf32, #tpu.memory_space<hbm>> -> memref<8x2048xf32, #tpu.memory_space<hbm>>
        tpu.wait_dma2 semaphore(%arg12 : memref<!tpu.dma_semaphore, #tpu.memory_space<semaphore_mem>>) src(%arg8 : memref<8x2048xf32, #tpu.memory_space<vmem>>) dst(%dma_wait3A_426 : memref<8x2048xf32, #tpu.memory_space<hbm>>)
      } else {
      }
      %parallel_loop3A = arith.constant 0 : i32
      %parallel_loop3A_369 = arith.constant 16384 : i32
      %parallel_loop3A_370 = arith.constant 16 : i32
      scf.for %parallel_loop3A_418 = %parallel_loop3A to %parallel_loop3A_369 step %parallel_loop3A_370  : i32 {
        %parallel_loop3A_419 = arith.constant 11 : i32
        %parallel_loop3A_420 = arith.shrsi %parallel_loop3A_418, %parallel_loop3A_419 : i32
        %parallel_loop3A_421 = arith.constant 2032 : i32
        %parallel_loop3A_422 = arith.andi %parallel_loop3A_418, %parallel_loop3A_421 : i32
        %parallel_loop3A_423 = tpu.assume_multiple %parallel_loop3A_422, 16 : i32
        %parallel_loop3A_424 = arith.index_cast %parallel_loop3A_420 : i32 to index
        %parallel_loop3A_425 = arith.index_cast %parallel_loop3A_423 : i32 to index
        %parallel_loop3A_426 = tpu.vector_load %arg6[%parallel_loop3A_424, %parallel_loop3A_425] {strides = array<i32>} : memref<8x2048xf32, #tpu.memory_space<vmem>>, vector<1x16xf32>,
        %parallel_loop3A_427 = vector.shape_cast %parallel_loop3A_426 : vector<1x16xf32> to vector<16xf32>
        %parallel_loop3A_428 = arith.mulf %parallel_loop3A_427, %div3A_243 : vector<16xf32>
        %parallel_loop3A_429 = arith.addf %parallel_loop3A_428, %sub3A_323 : vector<16xf32>
        %parallel_loop3A_430 = arith.maximumf %broadcast_in_dim3A_325, %parallel_loop3A_429 : vector<16xf32>
        %parallel_loop3A_431 = arith.minimumf %broadcast_in_dim3A_327, %parallel_loop3A_430 : vector<16xf32>
        %parallel_loop3A_432 = arith.fptosi %parallel_loop3A_431 : vector<16xf32> to vector<16xi32>
        %parallel_loop3A_433 = arith.constant 16 : i32
        %parallel_loop3A_434 = arith.constant 0 : i32
        %parallel_loop3A_435 = arith.cmpi eq, %parallel_loop3A_433, %parallel_loop3A_434 : i32
        %parallel_loop3A_436 = arith.constant 1 : i32
        %parallel_loop3A_437 = arith.select %parallel_loop3A_435, %parallel_loop3A_436, %parallel_loop3A_433 : i32
        %parallel_loop3A_438 = vector.broadcast %parallel_loop3A_437 : i32 to vector<16xi32>
        %parallel_loop3A_439 = arith.remsi %parallel_loop3A_432, %parallel_loop3A_438 : vector<16xi32>
        %parallel_loop3A_440 = arith.constant 0 : i32
        %parallel_loop3A_441 = vector.broadcast %parallel_loop3A_440 : i32 to vector<16xi32>
        %parallel_loop3A_442 = arith.cmpi ne, %parallel_loop3A_439, %parallel_loop3A_441 : vector<16xi32>
        %parallel_loop3A_443 = arith.constant 0 : i32
        %parallel_loop3A_444 = vector.broadcast %parallel_loop3A_443 : i32 to vector<16xi32>
        %parallel_loop3A_445 = arith.cmpi slt, %parallel_loop3A_439, %parallel_loop3A_444 : vector<16xi32>
        %parallel_loop3A_446 = arith.constant 0 : i32
        %parallel_loop3A_447 = arith.cmpi slt, %parallel_loop3A_437, %parallel_loop3A_446 : i32
        %parallel_loop3A_448 = vector.broadcast %parallel_loop3A_447 : i1 to vector<16xi1>
        %parallel_loop3A_449 = vector.broadcast %parallel_loop3A_448 : vector<16xi1> to vector<16xi1>
        %parallel_loop3A_450 = arith.xori %parallel_loop3A_445, %parallel_loop3A_449 : vector<16xi1>
        %parallel_loop3A_451 = arith.andi %parallel_loop3A_450, %parallel_loop3A_442 : vector<16xi1>
        %parallel_loop3A_452 = vector.broadcast %parallel_loop3A_437 : i32 to vector<16xi32>
        %parallel_loop3A_453 = arith.addi %parallel_loop3A_439, %parallel_loop3A_452 : vector<16xi32>
        %parallel_loop3A_454 = arith.select %parallel_loop3A_451, %parallel_loop3A_453, %parallel_loop3A_439 : vector<16xi1>, vector<16xi32>
        %parallel_loop3A_455 = vector.shape_cast %parallel_loop3A_454 : vector<16xi32> to vector<16x1xi32>
        %parallel_loop3A_456 = vector.shape_cast %parallel_loop3A_455 : vector<16x1xi32> to vector<16xi32>
        %parallel_loop3A_457 = tpu.dynamic_gather %select_n3A_315[%parallel_loop3A_456] in [0] : vector<16xf32>, vector<16xi32> -> vector<16xf32>
        %parallel_loop3A_458 = arith.constant 16 : i32
        %parallel_loop3A_459 = arith.constant 0 : i32
        %parallel_loop3A_460 = arith.cmpi eq, %parallel_loop3A_458, %parallel_loop3A_459 : i32
        %parallel_loop3A_461 = arith.constant 1 : i32
        %parallel_loop3A_462 = arith.select %parallel_loop3A_460, %parallel_loop3A_461, %parallel_loop3A_458 : i32
        %parallel_loop3A_463 = vector.broadcast %parallel_loop3A_462 : i32 to vector<16xi32>
        %parallel_loop3A_464 = arith.remsi %parallel_loop3A_432, %parallel_loop3A_463 : vector<16xi32>
        %parallel_loop3A_465 = arith.constant 0 : i32
        %parallel_loop3A_466 = vector.broadcast %parallel_loop3A_465 : i32 to vector<16xi32>
        %parallel_loop3A_467 = arith.cmpi ne, %parallel_loop3A_464, %parallel_loop3A_466 : vector<16xi32>
        %parallel_loop3A_468 = arith.constant 0 : i32
        %parallel_loop3A_469 = vector.broadcast %parallel_loop3A_468 : i32 to vector<16xi32>
        %parallel_loop3A_470 = arith.cmpi slt, %parallel_loop3A_464, %parallel_loop3A_469 : vector<16xi32>
        %parallel_loop3A_471 = arith.constant 0 : i32
        %parallel_loop3A_472 = arith.cmpi slt, %parallel_loop3A_462, %parallel_loop3A_471 : i32
        %parallel_loop3A_473 = vector.broadcast %parallel_loop3A_472 : i1 to vector<16xi1>
        %parallel_loop3A_474 = vector.broadcast %parallel_loop3A_473 : vector<16xi1> to vector<16xi1>
        %parallel_loop3A_475 = arith.xori %parallel_loop3A_470, %parallel_loop3A_474 : vector<16xi1>
        %parallel_loop3A_476 = arith.andi %parallel_loop3A_475, %parallel_loop3A_467 : vector<16xi1>
        %parallel_loop3A_477 = vector.broadcast %parallel_loop3A_462 : i32 to vector<16xi32>
        %parallel_loop3A_478 = arith.addi %parallel_loop3A_464, %parallel_loop3A_477 : vector<16xi32>
        %parallel_loop3A_479 = arith.select %parallel_loop3A_476, %parallel_loop3A_478, %parallel_loop3A_464 : vector<16xi1>, vector<16xi32>
        %parallel_loop3A_480 = vector.shape_cast %parallel_loop3A_479 : vector<16xi32> to vector<16x1xi32>
        %parallel_loop3A_481 = vector.shape_cast %parallel_loop3A_480 : vector<16x1xi32> to vector<16xi32>
        %parallel_loop3A_482 = tpu.dynamic_gather %select_n3A_319[%parallel_loop3A_481] in [0] : vector<16xf32>, vector<16xi32> -> vector<16xf32>
        %parallel_loop3A_483 = arith.mulf %parallel_loop3A_457, %parallel_loop3A_427 : vector<16xf32>
        %parallel_loop3A_484 = arith.addf %parallel_loop3A_483, %parallel_loop3A_482 : vector<16xf32>
        %parallel_loop3A_485 = arith.index_cast %parallel_loop3A_420 : i32 to index
        %parallel_loop3A_486 = arith.index_cast %parallel_loop3A_423 : i32 to index
        %parallel_loop3A_487 = tpu.vector_load %arg8[%parallel_loop3A_485, %parallel_loop3A_486] {strides = array<i32>} : memref<8x2048xf32, #tpu.memory_space<vmem>>, vector<1x16xf32>,
        %parallel_loop3A_488 = vector.shape_cast %parallel_loop3A_487 : vector<1x16xf32> to vector<16xf32>
        %parallel_loop3A_489 = vector.shape_cast %parallel_loop3A_484 : vector<16xf32> to vector<1x16xf32>
        tpu.vector_store %arg8[%parallel_loop3A_485, %parallel_loop3A_486], %parallel_loop3A_489 {strides = array<i32>} : memref<8x2048xf32, #tpu.memory_space<vmem>>, vector<1x16xf32>,
      } {sc.loop_unroll_factor = 16 : i64, sc.parallel_access}
      %mul3A_371 = arith.constant 8 : i32
      %mul3A_372 = arith.muli %add3A_359, %mul3A_371 : i32
      %add3A_373 = arith.addi %mul3A_2, %mul3A_372 : i32
      %dma_start3A_374 = arith.constant 0 : i32
      %dma_start3A_375 = tpu.memref_slice %arg4[%add3A_373, %dma_start3A_374] : memref<16384x2048xf32, #tpu.memory_space<hbm>> -> memref<8x2048xf32, #tpu.memory_space<hbm>>
      %dma_start3A_376 = arith.constant 0 : i32
      %dma_start3A_377 = tpu.memref_slice %arg4[%add3A_373, %dma_start3A_376] : memref<16384x2048xf32, #tpu.memory_space<hbm>> -> memref<8x2048xf32, #tpu.memory_space<hbm>>
      tpu.enqueue_dma source(%arg8 : memref<8x2048xf32, #tpu.memory_space<vmem>>) target(%dma_start3A_377 : memref<8x2048xf32, #tpu.memory_space<hbm>>) target_semaphore(%arg12 : memref<!tpu.dma_semaphore, #tpu.memory_space<semaphore_mem>>)
      %add3A_378 = arith.constant 2 : i32
      %add3A_379 = arith.addi %add3A_359, %add3A_378 : i32
      %lt3A_380 = arith.constant 64 : i32
      %lt3A_381 = arith.cmpi slt, %add3A_379, %lt3A_380 : i32
      %convert_element_type3A_382 = arith.extui %lt3A_381 : i1 to i32
      %cond3A_383 = arith.constant 0 : i32
      %cond3A_384 = arith.cmpi ne, %convert_element_type3A_382, %cond3A_383 : i32
      scf.if %cond3A_384 {
        %add3A_418 = arith.constant 2 : i32
        %add3A_419 = arith.addi %add3A_359, %add3A_418 : i32
        %mul3A_420 = arith.constant 8 : i32
        %mul3A_421 = arith.muli %add3A_419, %mul3A_420 : i32
        %add3A_422 = arith.addi %mul3A_2, %mul3A_421 : i32
        %dma_start3A_423 = arith.constant 0 : i32
        %dma_start3A_424 = tpu.memref_slice %arg2[%add3A_422, %dma_start3A_423] : memref<16384x2048xf32, #tpu.memory_space<hbm>> -> memref<8x2048xf32, #tpu.memory_space<hbm>>
        %dma_start3A_425 = arith.constant 0 : i32
        %dma_start3A_426 = tpu.memref_slice %arg2[%add3A_422, %dma_start3A_425] : memref<16384x2048xf32, #tpu.memory_space<hbm>> -> memref<8x2048xf32, #tpu.memory_space<hbm>>
        tpu.enqueue_dma source(%dma_start3A_426 : memref<8x2048xf32, #tpu.memory_space<hbm>>) target(%arg6 : memref<8x2048xf32, #tpu.memory_space<vmem>>) target_semaphore(%arg10 : memref<!tpu.dma_semaphore, #tpu.memory_space<semaphore_mem>>)
      } else {
      }
      %mul3A_385 = arith.constant 2 : i32
      %mul3A_386 = arith.muli %scan3A_355, %mul3A_385 : i32
      %add3A_387 = arith.constant 1 : i32
      %add3A_388 = arith.addi %mul3A_386, %add3A_387 : i32
      %mul3A_389 = arith.constant 8 : i32
      %mul3A_390 = arith.muli %add3A_388, %mul3A_389 : i32
      %add3A_391 = arith.addi %mul3A_2, %mul3A_390 : i32
      %dma_wait3A_392 = arith.constant 0 : i32
      %dma_wait3A_393 = tpu.memref_slice %arg2[%add3A_391, %dma_wait3A_392] : memref<16384x2048xf32, #tpu.memory_space<hbm>> -> memref<8x2048xf32, #tpu.memory_space<hbm>>
      %dma_wait3A_394 = arith.constant 0 : i32
      %dma_wait3A_395 = tpu.memref_slice %arg2[%add3A_391, %dma_wait3A_394] : memref<16384x2048xf32, #tpu.memory_space<hbm>> -> memref<8x2048xf32, #tpu.memory_space<hbm>>
      tpu.wait_dma2 semaphore(%arg11 : memref<!tpu.dma_semaphore, #tpu.memory_space<semaphore_mem>>) src(%dma_wait3A_395 : memref<8x2048xf32, #tpu.memory_space<hbm>>) dst(%arg7 : memref<8x2048xf32, #tpu.memory_space<vmem>>)
      %ge3A_396 = arith.constant 2 : i32
      %ge3A_397 = arith.cmpi sge, %add3A_388, %ge3A_396 : i32
      %convert_element_type3A_398 = arith.extui %ge3A_397 : i1 to i32
      %cond3A_399 = arith.constant 0 : i32
      %cond3A_400 = arith.cmpi ne, %convert_element_type3A_398, %cond3A_399 : i32
      scf.if %cond3A_400 {
        %sub3A_418 = arith.constant 2 : i32
        %sub3A_419 = arith.subi %add3A_388, %sub3A_418 : i32
        %mul3A_420 = arith.constant 8 : i32
        %mul3A_421 = arith.muli %sub3A_419, %mul3A_420 : i32
        %add3A_422 = arith.addi %mul3A_2, %mul3A_421 : i32
        %dma_wait3A_423 = arith.constant 0 : i32
        %dma_wait3A_424 = tpu.memref_slice %arg4[%add3A_422, %dma_wait3A_423] : memref<16384x2048xf32, #tpu.memory_space<hbm>> -> memref<8x2048xf32, #tpu.memory_space<hbm>>
        %dma_wait3A_425 = arith.constant 0 : i32
        %dma_wait3A_426 = tpu.memref_slice %arg4[%add3A_422, %dma_wait3A_425] : memref<16384x2048xf32, #tpu.memory_space<hbm>> -> memref<8x2048xf32, #tpu.memory_space<hbm>>
        tpu.wait_dma2 semaphore(%arg13 : memref<!tpu.dma_semaphore, #tpu.memory_space<semaphore_mem>>) src(%arg9 : memref<8x2048xf32, #tpu.memory_space<vmem>>) dst(%dma_wait3A_426 : memref<8x2048xf32, #tpu.memory_space<hbm>>)
      } else {
      }
      %parallel_loop3A_401 = arith.constant 0 : i32
      %parallel_loop3A_402 = arith.constant 16384 : i32
      %parallel_loop3A_403 = arith.constant 16 : i32
      scf.for %parallel_loop3A_418 = %parallel_loop3A_401 to %parallel_loop3A_402 step %parallel_loop3A_403  : i32 {
        %parallel_loop3A_419 = arith.constant 11 : i32
        %parallel_loop3A_420 = arith.shrsi %parallel_loop3A_418, %parallel_loop3A_419 : i32
        %parallel_loop3A_421 = arith.constant 2032 : i32
        %parallel_loop3A_422 = arith.andi %parallel_loop3A_418, %parallel_loop3A_421 : i32
        %parallel_loop3A_423 = tpu.assume_multiple %parallel_loop3A_422, 16 : i32
        %parallel_loop3A_424 = arith.index_cast %parallel_loop3A_420 : i32 to index
        %parallel_loop3A_425 = arith.index_cast %parallel_loop3A_423 : i32 to index
        %parallel_loop3A_426 = tpu.vector_load %arg7[%parallel_loop3A_424, %parallel_loop3A_425] {strides = array<i32>} : memref<8x2048xf32, #tpu.memory_space<vmem>>, vector<1x16xf32>,
        %parallel_loop3A_427 = vector.shape_cast %parallel_loop3A_426 : vector<1x16xf32> to vector<16xf32>
        %parallel_loop3A_428 = arith.mulf %parallel_loop3A_427, %div3A_243 : vector<16xf32>
        %parallel_loop3A_429 = arith.addf %parallel_loop3A_428, %sub3A_323 : vector<16xf32>
        %parallel_loop3A_430 = arith.maximumf %broadcast_in_dim3A_325, %parallel_loop3A_429 : vector<16xf32>
        %parallel_loop3A_431 = arith.minimumf %broadcast_in_dim3A_327, %parallel_loop3A_430 : vector<16xf32>
        %parallel_loop3A_432 = arith.fptosi %parallel_loop3A_431 : vector<16xf32> to vector<16xi32>
        %parallel_loop3A_433 = arith.constant 16 : i32
        %parallel_loop3A_434 = arith.constant 0 : i32
        %parallel_loop3A_435 = arith.cmpi eq, %parallel_loop3A_433, %parallel_loop3A_434 : i32
        %parallel_loop3A_436 = arith.constant 1 : i32
        %parallel_loop3A_437 = arith.select %parallel_loop3A_435, %parallel_loop3A_436, %parallel_loop3A_433 : i32
        %parallel_loop3A_438 = vector.broadcast %parallel_loop3A_437 : i32 to vector<16xi32>
        %parallel_loop3A_439 = arith.remsi %parallel_loop3A_432, %parallel_loop3A_438 : vector<16xi32>
        %parallel_loop3A_440 = arith.constant 0 : i32
        %parallel_loop3A_441 = vector.broadcast %parallel_loop3A_440 : i32 to vector<16xi32>
        %parallel_loop3A_442 = arith.cmpi ne, %parallel_loop3A_439, %parallel_loop3A_441 : vector<16xi32>
        %parallel_loop3A_443 = arith.constant 0 : i32
        %parallel_loop3A_444 = vector.broadcast %parallel_loop3A_443 : i32 to vector<16xi32>
        %parallel_loop3A_445 = arith.cmpi slt, %parallel_loop3A_439, %parallel_loop3A_444 : vector<16xi32>
        %parallel_loop3A_446 = arith.constant 0 : i32
        %parallel_loop3A_447 = arith.cmpi slt, %parallel_loop3A_437, %parallel_loop3A_446 : i32
        %parallel_loop3A_448 = vector.broadcast %parallel_loop3A_447 : i1 to vector<16xi1>
        %parallel_loop3A_449 = vector.broadcast %parallel_loop3A_448 : vector<16xi1> to vector<16xi1>
        %parallel_loop3A_450 = arith.xori %parallel_loop3A_445, %parallel_loop3A_449 : vector<16xi1>
        %parallel_loop3A_451 = arith.andi %parallel_loop3A_450, %parallel_loop3A_442 : vector<16xi1>
        %parallel_loop3A_452 = vector.broadcast %parallel_loop3A_437 : i32 to vector<16xi32>
        %parallel_loop3A_453 = arith.addi %parallel_loop3A_439, %parallel_loop3A_452 : vector<16xi32>
        %parallel_loop3A_454 = arith.select %parallel_loop3A_451, %parallel_loop3A_453, %parallel_loop3A_439 : vector<16xi1>, vector<16xi32>
        %parallel_loop3A_455 = vector.shape_cast %parallel_loop3A_454 : vector<16xi32> to vector<16x1xi32>
        %parallel_loop3A_456 = vector.shape_cast %parallel_loop3A_455 : vector<16x1xi32> to vector<16xi32>
        %parallel_loop3A_457 = tpu.dynamic_gather %select_n3A_315[%parallel_loop3A_456] in [0] : vector<16xf32>, vector<16xi32> -> vector<16xf32>
        %parallel_loop3A_458 = arith.constant 16 : i32
        %parallel_loop3A_459 = arith.constant 0 : i32
        %parallel_loop3A_460 = arith.cmpi eq, %parallel_loop3A_458, %parallel_loop3A_459 : i32
        %parallel_loop3A_461 = arith.constant 1 : i32
        %parallel_loop3A_462 = arith.select %parallel_loop3A_460, %parallel_loop3A_461, %parallel_loop3A_458 : i32
        %parallel_loop3A_463 = vector.broadcast %parallel_loop3A_462 : i32 to vector<16xi32>
        %parallel_loop3A_464 = arith.remsi %parallel_loop3A_432, %parallel_loop3A_463 : vector<16xi32>
        %parallel_loop3A_465 = arith.constant 0 : i32
        %parallel_loop3A_466 = vector.broadcast %parallel_loop3A_465 : i32 to vector<16xi32>
        %parallel_loop3A_467 = arith.cmpi ne, %parallel_loop3A_464, %parallel_loop3A_466 : vector<16xi32>
        %parallel_loop3A_468 = arith.constant 0 : i32
        %parallel_loop3A_469 = vector.broadcast %parallel_loop3A_468 : i32 to vector<16xi32>
        %parallel_loop3A_470 = arith.cmpi slt, %parallel_loop3A_464, %parallel_loop3A_469 : vector<16xi32>
        %parallel_loop3A_471 = arith.constant 0 : i32
        %parallel_loop3A_472 = arith.cmpi slt, %parallel_loop3A_462, %parallel_loop3A_471 : i32
        %parallel_loop3A_473 = vector.broadcast %parallel_loop3A_472 : i1 to vector<16xi1>
        %parallel_loop3A_474 = vector.broadcast %parallel_loop3A_473 : vector<16xi1> to vector<16xi1>
        %parallel_loop3A_475 = arith.xori %parallel_loop3A_470, %parallel_loop3A_474 : vector<16xi1>
        %parallel_loop3A_476 = arith.andi %parallel_loop3A_475, %parallel_loop3A_467 : vector<16xi1>
        %parallel_loop3A_477 = vector.broadcast %parallel_loop3A_462 : i32 to vector<16xi32>
        %parallel_loop3A_478 = arith.addi %parallel_loop3A_464, %parallel_loop3A_477 : vector<16xi32>
        %parallel_loop3A_479 = arith.select %parallel_loop3A_476, %parallel_loop3A_478, %parallel_loop3A_464 : vector<16xi1>, vector<16xi32>
        %parallel_loop3A_480 = vector.shape_cast %parallel_loop3A_479 : vector<16xi32> to vector<16x1xi32>
        %parallel_loop3A_481 = vector.shape_cast %parallel_loop3A_480 : vector<16x1xi32> to vector<16xi32>
        %parallel_loop3A_482 = tpu.dynamic_gather %select_n3A_319[%parallel_loop3A_481] in [0] : vector<16xf32>, vector<16xi32> -> vector<16xf32>
        %parallel_loop3A_483 = arith.mulf %parallel_loop3A_457, %parallel_loop3A_427 : vector<16xf32>
        %parallel_loop3A_484 = arith.addf %parallel_loop3A_483, %parallel_loop3A_482 : vector<16xf32>
        %parallel_loop3A_485 = arith.index_cast %parallel_loop3A_420 : i32 to index
        %parallel_loop3A_486 = arith.index_cast %parallel_loop3A_423 : i32 to index
        %parallel_loop3A_487 = tpu.vector_load %arg9[%parallel_loop3A_485, %parallel_loop3A_486] {strides = array<i32>} : memref<8x2048xf32, #tpu.memory_space<vmem>>, vector<1x16xf32>,
        %parallel_loop3A_488 = vector.shape_cast %parallel_loop3A_487 : vector<1x16xf32> to vector<16xf32>
        %parallel_loop3A_489 = vector.shape_cast %parallel_loop3A_484 : vector<16xf32> to vector<1x16xf32>
        tpu.vector_store %arg9[%parallel_loop3A_485, %parallel_loop3A_486], %parallel_loop3A_489 {strides = array<i32>} : memref<8x2048xf32, #tpu.memory_space<vmem>>, vector<1x16xf32>,
      } {sc.loop_unroll_factor = 16 : i64, sc.parallel_access}
      %mul3A_404 = arith.constant 8 : i32
      %mul3A_405 = arith.muli %add3A_388, %mul3A_404 : i32
      %add3A_406 = arith.addi %mul3A_2, %mul3A_405 : i32
      %dma_start3A_407 = arith.constant 0 : i32
      %dma_start3A_408 = tpu.memref_slice %arg4[%add3A_406, %dma_start3A_407] : memref<16384x2048xf32, #tpu.memory_space<hbm>> -> memref<8x2048xf32, #tpu.memory_space<hbm>>
      %dma_start3A_409 = arith.constant 0 : i32
      %dma_start3A_410 = tpu.memref_slice %arg4[%add3A_406, %dma_start3A_409] : memref<16384x2048xf32, #tpu.memory_space<hbm>> -> memref<8x2048xf32, #tpu.memory_space<hbm>>
      tpu.enqueue_dma source(%arg9 : memref<8x2048xf32, #tpu.memory_space<vmem>>) target(%dma_start3A_410 : memref<8x2048xf32, #tpu.memory_space<hbm>>) target_semaphore(%arg13 : memref<!tpu.dma_semaphore, #tpu.memory_space<semaphore_mem>>)
      %add3A_411 = arith.constant 2 : i32
      %add3A_412 = arith.addi %add3A_388, %add3A_411 : i32
      %lt3A_413 = arith.constant 64 : i32
      %lt3A_414 = arith.cmpi slt, %add3A_412, %lt3A_413 : i32
      %convert_element_type3A_415 = arith.extui %lt3A_414 : i1 to i32
      %cond3A_416 = arith.constant 0 : i32
      %cond3A_417 = arith.cmpi ne, %convert_element_type3A_415, %cond3A_416 : i32
      scf.if %cond3A_417 {
        %add3A_418 = arith.constant 2 : i32
        %add3A_419 = arith.addi %add3A_388, %add3A_418 : i32
        %mul3A_420 = arith.constant 8 : i32
        %mul3A_421 = arith.muli %add3A_419, %mul3A_420 : i32
        %add3A_422 = arith.addi %mul3A_2, %mul3A_421 : i32
        %dma_start3A_423 = arith.constant 0 : i32
        %dma_start3A_424 = tpu.memref_slice %arg2[%add3A_422, %dma_start3A_423] : memref<16384x2048xf32, #tpu.memory_space<hbm>> -> memref<8x2048xf32, #tpu.memory_space<hbm>>
        %dma_start3A_425 = arith.constant 0 : i32
        %dma_start3A_426 = tpu.memref_slice %arg2[%add3A_422, %dma_start3A_425] : memref<16384x2048xf32, #tpu.memory_space<hbm>> -> memref<8x2048xf32, #tpu.memory_space<hbm>>
        tpu.enqueue_dma source(%dma_start3A_426 : memref<8x2048xf32, #tpu.memory_space<hbm>>) target(%arg7 : memref<8x2048xf32, #tpu.memory_space<vmem>>) target_semaphore(%arg11 : memref<!tpu.dma_semaphore, #tpu.memory_space<semaphore_mem>>)
      } else {
      }
    }
    %scan3A_343 = arith.constant 32 : i32
    %add3A_344 = arith.constant 496 : i32
    %add3A_345 = arith.addi %mul3A_2, %add3A_344 : i32
    %dma_wait3A = arith.constant 0 : i32
    %dma_wait3A_346 = tpu.memref_slice %arg4[%add3A_345, %dma_wait3A] : memref<16384x2048xf32, #tpu.memory_space<hbm>> -> memref<8x2048xf32, #tpu.memory_space<hbm>>
    %dma_wait3A_347 = arith.constant 0 : i32
    %dma_wait3A_348 = tpu.memref_slice %arg4[%add3A_345, %dma_wait3A_347] : memref<16384x2048xf32, #tpu.memory_space<hbm>> -> memref<8x2048xf32, #tpu.memory_space<hbm>>
    tpu.wait_dma2 semaphore(%arg12 : memref<!tpu.dma_semaphore, #tpu.memory_space<semaphore_mem>>) src(%arg8 : memref<8x2048xf32, #tpu.memory_space<vmem>>) dst(%dma_wait3A_348 : memref<8x2048xf32, #tpu.memory_space<hbm>>)
    %add3A_349 = arith.constant 504 : i32
    %add3A_350 = arith.addi %mul3A_2, %add3A_349 : i32
    %dma_wait3A_351 = arith.constant 0 : i32
    %dma_wait3A_352 = tpu.memref_slice %arg4[%add3A_350, %dma_wait3A_351] : memref<16384x2048xf32, #tpu.memory_space<hbm>> -> memref<8x2048xf32, #tpu.memory_space<hbm>>
    %dma_wait3A_353 = arith.constant 0 : i32
    %dma_wait3A_354 = tpu.memref_slice %arg4[%add3A_350, %dma_wait3A_353] : memref<16384x2048xf32, #tpu.memory_space<hbm>> -> memref<8x2048xf32, #tpu.memory_space<hbm>>
    tpu.wait_dma2 semaphore(%arg13 : memref<!tpu.dma_semaphore, #tpu.memory_space<semaphore_mem>>) src(%arg9 : memref<8x2048xf32, #tpu.memory_space<vmem>>) dst(%dma_wait3A_354 : memref<8x2048xf32, #tpu.memory_space<hbm>>)
    return
  }
}

</mosaic_0001>

<sc_bundles>
// kernel: _pwl.3.cloned.1.call-start
scs
__scs_entry_jumppad:
0x0: {  	(pc) =	sbr.rel $0x88, $3  }
0x1: {  	(tag) =	ssettag $0x0;
	lr =	simm.s32 $0x1  }
0x2: {  	[smem:$0x3F9F] =	sst lr;
	_ =	strace $0xD0000000  }
0x3: {  	_ = 	snop  }
0x4: {  	_ = 	snop  }
0x5: {  	_ = 	snop  }
0x6: {  	_ = 	snop  }
0x7: {  	_ = 	snop  }
__scs_overlays_trampoline_lowered:
0x8: {  	[smem:$0x3FAE] =	sst s0  }
0x9: {  	[smem:$0x3FAF] =	sst s1  }
0xa: {  	[smem:$0x3FB0] =	sst s2  }
0xb: {  	[smem:$0x3FB1] =	sst s3  }
0xc: {  	[smem:$0x3FB2] =	sst s4  }
0xd: {  	[smem:$0x3FB3] =	sst s5  }
0xe: {  	[smem:$0x3FB4] =	sst s6  }
0xf: {  	[smem:$0x3FB5] =	sst s7  }
0x10: {  	[smem:$0x3FB6] =	sst s8  }
0x11: {  	[smem:$0x3FB7] =	sst s9;
	s0 =	simm.s32 @!p0 $0x0  }
0x12: {  	s1 =	sld [smem:$0x3F9D];
	s0 =	simm.s32 @p0 $0x1  }
0x13: {  	[smem:$0x3FB8] =	sst s0;
	s0 =	simm.s32 @!p1 $0x0  }
0x14: {  	s2 =	sld [smem:$0x3F9C];
	s0 =	simm.s32 @p1 $0x1  }
0x15: {  	[smem:$0x3FB9] =	sst s0;
	s0 =	simm.s32 @!p2 $0x0  }
0x16: {  	s3 =	sld [smem:$0x3FDB];
	s0 =	simm.s32 @p2 $0x1  }
0x17: {  	s4 =	simm.s32 $0x1BF5;
	[smem:$0x3FBB] =	sst s0  }
0x18: {  	s0 =	sld [smem:$0x3F9E];
	_ =	swait.ge [sflag:s4], $0x0  }
0x19: {  	s7 =	sld [smem:$0x3F9F]  }
0x1a: {  	s8 =	sadd.s32 $0xFFFFE003, lr  }
0x1b: {  	s9 =	sadd.s32 $0xFFFFFEF7, lr;
	s5 =	simm.s32 $0xFFFFFFFF;
	p2 =	slt.u32 s8, $0xFFFFF086  }
0x1c: {  	p1 =	slt.u32 s9, $0xF7A;
	s5 =	simm.s32 @!p2 $0x0  }
0x1d: {  	s5 =	simm.s32 @p1 $0x1;
	p0 =	seq.s32 s7, s2  }
0x1e: {  	s7 =	smul.u32 @!p0 $0xF7A, s2;
	p2 =	seq.s32 @!p0 s5, $0x0  }
0x1f: {  	s9 =	smul.u32 $0xF7A, s1;
	s8 =	simm.s32 @!p0 $0x1BF5;
	p2 =	por !p2, p0  }
0x20: {  	[sflag:s8] =	ssyncset.s32 @!p0 $0xFFFFF086;
	s6 =	sadd.s32 @!p0 s3, s7;
	s7 =	simm.s32 @!p0 $0x108  }
0x21: {  	s3 =	sadd.s32 s3, s9;
	s6 =	sadd.s32 @!p0 $0x88, s6;
	s7 =	simm.s32 @p2 $0x1082  }
0x22: {  	[simem:s7], [sflag:s8] =	dma.local @!p0 [hbm:s6], $0xF7A  }
0x23: {  	s9 =	sor.u32 $0xD0000000, s2;
	s6 =	simm.s32 $0x108;
	_ =	swait.ge @!p0 [sflag:s8], $0x0  }
0x24: {  	s3 =	sadd.s32 $0x88, s3;
	s6 =	simm.s32 @!p1 $0x1082;
	[sflag:s4] =	ssyncset.s32 $0xFFFFF086  }
0x25: {  	[simem:s6], [sflag:s4] =	dma.local [hbm:s3], $0xF7A  }
0x26: {  	[smem:$0x3F9F] =	sst s1;
	(tag) =	ssettag s2;
	_ =	strace s9  }
0x27: {  	s1 =	sld [smem:$0x3FAF]  }
0x28: {  	s2 =	sld [smem:$0x3FB0]  }
0x29: {  	s4 =	sld [smem:$0x3FB2]  }
0x2a: {  	p0 =	seq.s32 s5, $0x0;
	s5 =	sld [smem:$0x3FB3]  }
0x2b: {  	s6 =	sld [smem:$0x3FB4]  }
0x2c: {  	s7 =	sld [smem:$0x3FB5]  }
0x2d: {  	s3 =	simm.s32 $0x108;
	s8 =	sld [smem:$0x3FB6]  }
0x2e: {  	s3 =	simm.s32 @!p0 $0x1082;
	s9 =	sld [smem:$0x3FB7]  }
0x2f: {  	lr =	sadd.s32 s0, s3;
	s0 =	sld [smem:$0x3FAE]  }
0x30: {  	s3 =	sld [smem:$0x3FB1]  }
0x31: {  	[smem:$0x3FBA] =	sst s10  }
0x32: {  	s10 =	sld [smem:$0x3FB8];
	_ =	sdelay $0x3  }
0x33: {  	p0 =	seq.s32 s10, $0x1;
	s10 =	sld [smem:$0x3FBA];
	_ =	sdelay $0x3  }
0x34: {  	[smem:$0x3FBA] =	sst s10  }
0x35: {  	s10 =	sld [smem:$0x3FB9];
	_ =	sdelay $0x3  }
0x36: {  	p1 =	seq.s32 s10, $0x1;
	s10 =	sld [smem:$0x3FBA];
	_ =	sdelay $0x3  }
0x37: {  	[smem:$0x3FBA] =	sst s10  }
0x38: {  	s10 =	sld [smem:$0x3FBB]  }
0x39: {  	_ = 	snop;
	(pc) =	sbr.ind lr, $3  }
0x3a: {  	_ = 	snop  }
0x3b: {  	_ = 	snop  }
0x3c: {  	p2 =	seq.s32 s10, $0x1;
	s10 =	sld [smem:$0x3FBA]  }
0x3d: {  	_ =	shalt  }
0x3e: {  	_ =	shalt  }
0x3f: {  	_ =	shalt  }
0x40: {  	_ =	shalt  }
0x41: {  	_ =	shalt  }
0x42: {  	_ =	shalt  }
0x43: {  	_ =	shalt  }
0x44: {  	_ =	shalt  }
0x45: {  	_ =	shalt  }
0x46: {  	_ =	shalt  }
0x47: {  	_ =	shalt  }
0x48: {  	_ =	shalt  }
0x49: {  	_ =	shalt  }
0x4a: {  	_ =	shalt  }
0x4b: {  	_ =	shalt  }
0x4c: {  	_ =	shalt  }
0x4d: {  	_ =	shalt  }
0x4e: {  	_ =	shalt  }
0x4f: {  	_ =	shalt  }
0x50: {  	_ =	shalt  }
0x51: {  	_ =	shalt  }
0x52: {  	_ =	shalt  }
0x53: {  	_ =	shalt  }
0x54: {  	_ =	shalt  }
0x55: {  	_ =	shalt  }
0x56: {  	_ =	shalt  }
0x57: {  	_ =	shalt  }
0x58: {  	_ =	shalt  }
0x59: {  	_ =	shalt  }
0x5a: {  	_ =	shalt  }
0x5b: {  	_ =	shalt  }
0x5c: {  	_ =	shalt  }
0x5d: {  	_ =	shalt  }
0x5e: {  	_ =	shalt  }
0x5f: {  	_ =	shalt  }
0x60: {  	_ =	shalt  }
0x61: {  	_ =	shalt  }
0x62: {  	_ =	shalt  }
0x63: {  	_ =	shalt  }
0x64: {  	_ =	shalt  }
0x65: {  	_ =	shalt  }
0x66: {  	_ =	shalt  }
0x67: {  	_ =	shalt  }
0x68: {  	_ =	shalt  }
0x69: {  	_ =	shalt  }
0x6a: {  	_ =	shalt  }
0x6b: {  	_ =	shalt  }
0x6c: {  	_ =	shalt  }
0x6d: {  	_ =	shalt  }
0x6e: {  	_ =	shalt  }
0x6f: {  	_ =	shalt  }
0x70: {  	_ =	shalt  }
0x71: {  	_ =	shalt  }
0x72: {  	_ =	shalt  }
0x73: {  	_ =	shalt  }
0x74: {  	_ =	shalt  }
0x75: {  	_ =	shalt  }
0x76: {  	_ =	shalt  }
0x77: {  	_ =	shalt  }
0x78: {  	_ =	shalt  }
0x79: {  	_ =	shalt  }
0x7a: {  	_ =	shalt  }
0x7b: {  	_ =	shalt  }
0x7c: {  	_ =	shalt  }
0x7d: {  	_ =	shalt  }
0x7e: {  	_ =	shalt  }
0x7f: {  	_ =	shalt  }
0x80: {  	_ =	shalt  }
0x81: {  	_ =	shalt  }
0x82: {  	_ =	shalt  }
0x83: {  	_ =	shalt  }
0x84: {  	_ =	shalt  }
0x85: {  	_ =	shalt  }
0x86: {  	_ =	shalt  }
0x87: {  	_ =	shalt  }
.Lfunc_end0:
.L_simem_size_0:
called_computation_lowered:
.L_overlay_start_0:
0x88: {  	s2 =	sld [smem:$0x3FD9]  }
0x89: {  	s3 =	sld [smem:$0x3FFE];
	_ =	sdelay $0x1  }
0x8a: {  	s1 =	srdreg.scid  }
0x8b: {  	s0 =	sand.u32 $0x1, s1  }
0x8c: {  	s18 =	sshll.u32 s0, $0xA;
	s2 =	sadd.s32 s3, s2  }
0x8d: {  	s2 =	sadd.s32 s2, s18  }
0x8e: {  	[smem:$0x3FC6] =	sst s2  }
0x8f: {  	_ = 	snop  }
0x90: {  	s2 =	sld [smem:$0x3FC9]  }
0x91: {  	s19 =	sld [smem:$0x3FC8]  }
0x92: {  	s4 =	sld [smem:$0x3FD0];
	(tm) =	ssettm $0x1  }
0x93: {  	s5 =	sld [smem:$0x3FFB];
	_ =	sdelay $0x3  }
0x94: {  	_ =	strace s5  }
0x95: {  	s5 =	sld [smem:$0x3FFC];
	_ =	sdelay $0x3  }
0x96: {  	_ =	strace s5  }
0x97: {  	s5 =	sld [smem:$0x3FFD];
	_ =	sdelay $0x3  }
0x98: {  	_ =	strace s5  }
0x99: {  	_ =	strace $0x8FFFFFFF  }
0x9a: {  	s20 =	sld [smem:$0x3FDB];
	_ =	sdelay $0x1  }
0x9b: {  	s6 =	simm.s32 $_scs_section_size  }
0x9c: {  	s7 =	simm.s32 $_size__tile_overlayer_lowered;
	s8 =	simm.s32 $_tile_overlayer_lowered  }
0x9d: {  	s23 =	simm.s32 $0x1BFF;
	s22 =	sshll.u32 s8, $0x1;
	s5 =	sadd.s32 s6, s20  }
0x9e: {  	s9 =	simm.s32 $0x0;
	s21 =	sshll.u32 s7, $0x1;
	s7 =	sadd.s32 s22, s5  }
0x9f: {  	[timem:s9], [sflag:s23] =	dma.local [hbm:s7], s21  }
0xa0: {  	_ =	swait.ge [sflag:s23], s21  }
0xa1: {  	s6 =	ssub.s32 $0x0, s21;
	[sflag:s23] =	ssyncset.done $0x0  }
0xa2: {  	[sflag:s23] =	ssyncadd.s32 s6;
	_ =	sdelay $0x1  }
0xa3: {  	s24 =	simm.s32 $0x1B8B  }
0xa4: {  	_ =	swait.ge [sflag:s24], $0x1  }
0xa5: {  	[sflag:s24] =	ssyncset.done $0x0  }
0xa6: {  	s25 =	simm.s32 $0x1B8E;
	[sflag:s24] =	ssyncadd.s32 $0xFFFFFFFF  }
0xa7: {  	s26 =	simm.s32 $execute0_lowered;
	[smem:$0x3FD2] =	sst s25  }
0xa8: {  	s6 =	sshll.u32 s26, $0x1;
	_ =	strace $0x80000046;
	[dreg:$0x1] =	wrdreg $0xFFFFFFFF  }
0xa9: {  	s28 =	simm.s32 $_size_execute0_lowered;
	s5 =	sadd.s32 s5, s6;
	[dreg:$0x0] =	wrdreg $0x0  }
0xaa: {  	s6 =	sshll.u32 s28, $0x1;
	[dreg:$0x2] =	wrdreg s5  }
0xab: {  	[dreg:$0x3] =	wrdreg s6  }
0xac: {  	[dreg:$0x4] =	wrdreg $0xC0  }
0xad: {  	_ =	task [dreg:s9], $0x5FFFF  }
0xae: {  	[dreg:$0x1] =	wrdreg $0xFFFFFFFF  }
0xaf: {  	[dreg:$0x0] =	wrdreg $0x60  }
0xb0: {  	[dreg:$0x2] =	wrdreg s2  }
0xb1: {  	[dreg:$0x3] =	wrdreg s19  }
0xb2: {  	[dreg:$0x4] =	wrdreg s4  }
0xb3: {  	[dreg:$0x5] =	wrdreg $0x9  }
0xb4: {  	_ =	task.clear_ibuf [dreg:s9], $0x6FFFF;
	_ =	strace $0x90000046  }
0xb5: {  	s29 =	simm.s32 $0x9;
	_ =	strace $0x80000048  }
0xb6: {  	_ =	swait.ge [sflag:s29], $0x1  }
0xb7: {  	[sflag:s29] =	ssyncadd.s32 $0xFFFFFFFF  }
0xb8: {  	_ =	strace $0x90000048  }
0xb9: {  	_ =	sfence  }
0xba: {  	s30 =	sld [smem:$0x0];
	_ =	sdelay $0x2  }
0xbb: {  	s31 =	sshll.u32 s1, $0xD;
	s1 =	sshrl.u32 s1, $0x2  }
0xbc: {  	s3 =	sand.u32 $0x4000, s31;
	s1 =	sadd.s32 s1, s30  }
0xbd: {  	s0 =	sor.u32 s3, s0;
	s1 =	sshll.u32 s1, $0x11  }
0xbe: {  	s0 =	sor.u32 s1, s0  }
0xbf: {  	s0 =	sadd.s32 $0x8F2B, s0  }
0xc0: {  	[sflag:s0] =	ssyncadd.remote.s32 $0x1  }
0xc1: {  	_ =	sfence.sel $0xFFFF  }
0xc2: {  	[dreg:$0x0] =	wrdreg $0xFFFFFFFF;
	(pc) =	sbr.abs _section_cstart, $3  }
0xc3: {  	[dreg:$0x1] =	wrdreg $0xFFFFFFFF  }
0xc4: {  	_ =	task.clear_ibuf [dreg:s9], $0x2FFFF;
	_ =	strace $0x9FFFFFFF  }
0xc5: {  	(tm) =	ssettm $0x7FFFFFFF  }
tec
execute0_lowered:
.L_overlay_start_1:
0x0: {  	(tag) =	ssettag $0x1  }
0x1: {  	s1 =	rddreg [dreg:$0x0]  }
0x2: {  	s0 =	srdreg.scid;
	s3 =	stileid.u32  }
0x3: {  	s2 =	rddreg [dreg:$0x2];
	s4 =	simm.s32 $0x0;
	s12 =	simm.s32 $0x5  }
0x4: {  	s13 =	simm.s32 $0x80;
	s14 =	simm.s32 $0x4080;
	s15 =	simm.s32 $0x1  }
0x5: {  	s16 =	simm.s32 $0x8080;
	s17 =	simm.s32 $0x2;
	s18 =	simm.s32 $0x4  }
0x6: {  	s19 =	simm.s32 $0xC080;
	s20 =	simm.s32 $0x3;
	s21 =	simm.s32 $0x0  }
0x7: {  	s0 =	sand.u32 $0x1, s0;
	s5 =	sshll.u32 s3, $0xA;
	[smem:$0x7FF] =	sst s4  }
0x8: {  	s6 =	sshll.u32 s0, $0x9;
	s0 =	ssub.s32 $0x2, s0;
	_ =	strace $0x80000047  }
.Ltmp0:
0x9: {  	v0 =	vimm.s32 $0x0;
	v1 =	vimm.s32 $0x1;
	s7 =	sor.u32 s6, s5;
	s30 =	sshrl.u32 s0, $0x1;
	(pc) =	sbr.rel .LBB2_1-.Ltmp0, $4  }
0xa: {  	v2 =	vimm.s32 $0x2;
	v3 =	vimm.s32 $0x3;
	v4 =	vimm.s32 $0x4;
	s8 =	sshll.u32 s7, $0x8;
	s0 =	ssub.s32 s0, s30;
	s9 =	sshrl.u32 s7, $0x3  }
0xb: {  	v5 =	vimm.s32 $0x5;
	v6 =	vimm.s32 $0x6;
	v7 =	vimm.s32 $0x7;
	s5 =	sadd.s32 s1, s8;
	s7 =	sadd.s32 s2, s8;
	s0 =	smax.u32 s0, $0x1  }
0xc: {  	v8 =	vimm.s32 $0x8;
	vm0 =	vcmask $0x318;
	vm1 =	vcmask $0x718;
	s8 =	sor.u32 $0x2, s9;
	s31 =	sadd.s32 $0x800, s5;
	[dreg:$0x5] =	wrdreg s0  }
0xd: {  	vm2 =	vcmask $0xB18;
	vm3 =	vcmask $0xF18;
	vm4 =	vcmask $0x1318;
	s9 =	sor.u32 $0x3, s9;
	s11 =	sadd.s32 $0x800, s7;
	[dreg:$0x4] =	wrdreg s31  }
.LBB2_12:
0xe: {  	_ =	swait.ge [sflag:s20], $0x4000  }
0xf: {  	[sflag:s20] =	ssyncset.done $0x0  }
0x10: {  	[sflag:s20] =	ssyncadd.s32 $0xFFFFC000  }
0x11: {  	_ =	swait.ge [sflag:s18], $0x4000  }
0x12: {  	s21 =	sadd.s32 $0x1, s21;
	s0 =	rddreg [dreg:$0x5]  }
0x13: {  	p0 =	sne.s32 s21, s0  }
.Ltmp1:
0x14: {  	_ = 	snop;
	(pc) =	sbr.rel @!p0 .LBB2_13-.Ltmp1, $3  }
0x15: {  	_ =	sdelay $0x1  }
0x16: {  	[sflag:s18] =	ssyncset.done $0x0  }
0x17: {  	[sflag:s18] =	ssyncadd.s32 $0xFFFFC000  }
.LBB2_1:
0x18: {  	s0 =	rddreg [dreg:$0x1]  }
0x19: {  	[tilespmem:s4], [sflag:$0x5] =	stream.linear.gather [hbm4b:s0+s4], $0x80, $0x38;
	[tilespmem:$0x10080] =	vst v63  }
0x1a: {  	_ =	swait.ge [sflag:s12], $0x80  }
0x1b: {  	[sflag:s12] =	ssyncset.done $0x0  }
0x1c: {  	[sflag:s12] =	ssyncadd.s32 $0xFFFFFF80  }
0x1d: {  	v9 =	vld [tilespmem:$0x0];
	_ =	sdelay $0x4  }
0x1e: {  	v10 =	vperm.xlane v9, v0;
	v11 =	vperm.xlane v9, v1;
	_ =	sdelay $0x1  }
0x1f: {  	v12 =	vsub.f32 v11, v10;
	_ =	sdelay $0x1  }
0x20: {  	v12 =	vmul.f32 $2.500000000e-01, v12;
	_ =	sdelay $0x1  }
0x21: {  	(erf) = vrcp.f32 v12;
	_ =	sdelay $0x3  }
0x22: {  	v13 =	vperm.xlane v9, v4  }
0x23: {  	v14 =	vperm.xlane v9, v5;
	v15 =	vperm.xlane v9, v6  }
0x24: {  	v16 =	vperm.xlane v9, v2;
	v17 =	vperm.xlane v9, v7  }
0x25: {  	v19 =	vperm.xlane v9, v3;
	v20 =	vperm.xlane v9, v8;
	v18 =	vsub.f32 v14, v13  }
0x26: {  	v21 =	vsub.f32 v15, v14;
	v22 =	vsub.f32 v17, v15;
	v23 =	vmul.f32 $0.0e+00, v12  }
0x27: {  	v24 =	vsub.f32 v20, v17;
	v27 =	vmul.f32 v16, v10;
	v11 =	vmul.f32 v19, v11;
	v9 =	vpop (erf)  }
0x28: {  	v25 =	vadd.f32 v12, v12;
	v23 =	vadd.f32 v23, v10;
	v18 =	vmul.f32 v18, v9  }
0x29: {  	v26 =	vmul.f32 $3.000000000e+00, v12;
	v12 =	vadd.f32 v12, v10;
	v21 =	vmul.f32 v21, v9  }
0x2a: {  	v25 =	vadd.f32 v25, v10;
	v22 =	vmul.f32 v22, v9;
	v23 =	vmul.f32 v18, v23  }
0x2b: {  	v26 =	vadd.f32 v26, v10;
	v24 =	vmul.f32 v24, v9;
	v12 =	vmul.f32 v21, v12  }
0x2c: {  	v27 =	vsub.f32 v13, v27;
	v25 =	vmul.f32 v22, v25;
	v13 =	vsub.f32 v13, v23  }
0x2d: {  	v11 =	vsub.f32 v20, v11;
	v63 =	vmul.f32 v24, v26;
	v12 =	vsub.f32 v14, v12  }
0x2e: {  	v16 =	vsel vm0, v16, v18;
	v14 =	vsub.f32 v15, v25;
	v13 =	vsel vm0, v27, v13  }
0x2f: {  	v16 =	vsel vm1, v16, v21;
	v15 =	vsub.f32 v17, v63;
	v12 =	vsel vm1, v13, v12  }
0x30: {  	[tilespmem:s13], [sflag:$0x1] =	stream.linear.gather [hbm4b:s5+s4], $0x4000, $0x38;
	v13 =	vsel vm2, v16, v22;
	v12 =	vsel vm2, v12, v14;
	v14 =	vmul.f32 v9, v10;
	[tilespmem:$0x10080] =	vst v63  }
0x31: {  	s22 =	simm.s32 $0x0;
	s31 =	rddreg [dreg:$0x4];
	v10 =	vsel vm3, v13, v24;
	v12 =	vsel vm3, v12, v15  }
0x32: {  	[tilespmem:s14], [sflag:$0x2] =	stream.linear.gather [hbm4b:s31+s4], $0x4000, $0x38;
	v10 =	vsel vm4, v10, v19;
	v11 =	vsel vm4, v12, v11;
	v12 =	vsub.f32 $1.000000000e+00, v14;
	[tilespmem:$0x10080] =	vst v63  }
.LBB2_2:
0x33: {  	_ =	swait.ge [sflag:s15], $0x4000  }
0x34: {  	p0 =	seq.s32 s22, $0x0;
	[sflag:s15] =	ssyncset.done $0x0  }
0x35: {  	s0 =	simm.s32 @!p0 $0x3;
	[sflag:s15] =	ssyncadd.s32 $0xFFFFC000  }
0x36: {  	s2 =	simm.s32 $0x0;
	_ =	swait.ge @!p0 [sflag:s0], $0x4000  }
0x37: {  	s23 =	sand.u32 $0x3800, s2;
	s24 =	sand.u32 $0x380, s2;
	[sflag:s0] =	ssyncset.done @!p0 $0x0  }
0x38: {  	s25 =	sor.u32 s24, s23;
	[sflag:s0] =	ssyncadd.s32 @!p0 $0xFFFFC000  }
0x39: {  	v16 =	vld [tilespmem:s25+$0x4C0]  }
0x3a: {  	v23 =	vld [tilespmem:s25+$0x4E0]  }
0x3b: {  	v24 =	vld [tilespmem:s25+$0x4B0]  }
0x3c: {  	v25 =	vld [tilespmem:s25+$0x480]  }
0x3d: {  	v22 =	vld [tilespmem:s25+$0xE0]  }
0x3e: {  	v19 =	vld [tilespmem:s25+$0xD0]  }
0x3f: {  	s26 =	sand.u32 $0x7, s2;
	v18 =	vld [tilespmem:s25+$0x90]  }
0x40: {  	s0 =	sshll.u32 s26, $0xB;
	v15 =	vld [tilespmem:s25+$0xC0]  }
0x41: {  	v20 =	vld [tilespmem:s25+$0xB0];
	s0 =	sadd.s32 $0x0, s0  }
0x42: {  	v40 =	vld [tilespmem:s25+$0x4D0];
	s26 =	sor.u32 $0x70, s0;
	v13 =	vmul.f32 v23, v9;
	v14 =	vmul.f32 v24, v9  }
0x43: {  	v34 =	vld [tilespmem:s26+$0x80];
	v17 =	vmul.f32 v25, v9;
	v27 =	vmul.f32 v16, v9  }
0x44: {  	v28 =	vmul.f32 v22, v9;
	v30 =	vmul.f32 v19, v9  }
0x45: {  	v31 =	vmul.f32 v18, v9;
	v32 =	vmul.f32 v15, v9;
	v21 =	vadd.f32 v13, v12  }
0x46: {  	v33 =	vmul.f32 v20, v9;
	v26 =	vadd.f32 v14, v12;
	v29 =	vadd.f32 v17, v12  }
0x47: {  	v42 =	vmul.f32 v40, v9;
	v30 =	vadd.f32 v30, v12;
	v28 =	vadd.f32 v28, v12  }
0x48: {  	v38 =	vmul.f32 v34, v9;
	v39 =	vadd.f32 v31, v12;
	v27 =	vadd.f32 v27, v12  }
0x49: {  	v42 =	vadd.f32 v42, v12;
	v33 =	vadd.f32 v33, v12;
	v21 =	vmax.f32 v21, $0.0e+00  }
0x4a: {  	v26 =	vmax.f32 v26, $0.0e+00;
	v29 =	vmax.f32 v29, $0.0e+00;
	v30 =	vmax.f32 v30, $0.0e+00  }
0x4b: {  	v28 =	vmax.f32 v28, $0.0e+00;
	v27 =	vmax.f32 v27, $0.0e+00;
	v42 =	vmax.f32 v42, $0.0e+00  }
0x4c: {  	v13 =	vld [tilespmem:s25+$0x80];
	v33 =	vmax.f32 v33, $0.0e+00;
	v29 =	vmin.f32 v29, $5.000000000e+00;
	v35 =	vmin.f32 v21, $5.000000000e+00  }
0x4d: {  	v14 =	vld [tilespmem:s25+$0xA0];
	v26 =	vmin.f32 v26, $5.000000000e+00;
	v27 =	vmin.f32 v27, $5.000000000e+00;
	v42 =	vmin.f32 v42, $5.000000000e+00  }
0x4e: {  	v17 =	vld [tilespmem:s25+$0x4A0];
	v30 =	vmin.f32 v30, $5.000000000e+00;
	v29 =	vtrunc.f32 v29;
	v45 =	vtrunc.f32 v27  }
0x4f: {  	v31 =	vld [tilespmem:s25+$0x490];
	v33 =	vmin.f32 v33, $5.000000000e+00;
	v42 =	vtrunc.f32 v42;
	v63 =	vtrunc.f32 v30  }
0x50: {  	v47 =	vmin.f32 v28, $5.000000000e+00;
	v26 =	vtrunc.f32 v26;
	v35 =	vtrunc.f32 v35  }
0x51: {  	v33 =	vtrunc.f32 v33;
	v51 =	vtrunc.f32 v47  }
0x52: {  	v32 =	vadd.f32 v32, v12;
	v36 =	vmul.f32 v13, v9;
	v29 =	vcvt.f32.s32 v29  }
0x53: {  	v38 =	vadd.f32 v38, v12;
	v37 =	vmul.f32 v14, v9;
	v41 =	vmul.f32 v17, v9  }
0x54: {  	s24 =	sor.u32 $0x470, s0;
	v62 =	vmul.f32 v31, v9;
	v42 =	vcvt.f32.s32 v42;
	v29 =	vand.u32 $0xF, v29  }
0x55: {  	v39 =	vmax.f32 v39, $0.0e+00;
	v21 =	vld [tilespmem:s24+$0x80];
	v26 =	vcvt.f32.s32 v26;
	v43 =	vperm.xlane v10, v29  }
0x56: {  	v60 =	vmin.f32 v39, $5.000000000e+00;
	v35 =	vcvt.f32.s32 v35;
	v33 =	vcvt.f32.s32 v33  }
0x57: {  	v38 =	vmax.f32 v38, $0.0e+00;
	v29 =	vperm.xlane v11, v29;
	v25 =	vmul.f32 v43, v25  }
0x58: {  	v38 =	vmin.f32 v38, $5.000000000e+00;
	v53 =	vcvt.f32.s32 v63;
	v54 =	vcvt.f32.s32 v51  }
0x59: {  	v63 =	vcvt.f32.s32 v45;
	v29 =	vadd.f32 v29, v25;
	v25 =	vadd.f32 v62, v12  }
0x5a: {  	v38 =	vtrunc.f32 v38;
	v42 =	vand.u32 $0xF, v42;
	v44 =	vmul.f32 v21, v9  }
0x5b: {  	v41 =	vadd.f32 v41, v12;
	v26 =	vand.u32 $0xF, v26;
	v25 =	vmax.f32 v25, $0.0e+00  }
0x5c: {  	v35 =	vand.u32 $0xF, v35;
	v44 =	vadd.f32 v44, v12;
	v25 =	vmin.f32 v25, $5.000000000e+00  }
0x5d: {  	v36 =	vadd.f32 v36, v12;
	v48 =	vperm.xlane v10, v42;
	v25 =	vtrunc.f32 v25  }
0x5e: {  	v50 =	vperm.xlane v10, v26;
	v27 =	vmax.f32 v44, $0.0e+00;
	v25 =	vcvt.f32.s32 v25  }
0x5f: {  	v26 =	vperm.xlane v11, v26;
	v41 =	vmax.f32 v41, $0.0e+00;
	v27 =	vmin.f32 v27, $5.000000000e+00  }
0x60: {  	v36 =	vmax.f32 v36, $0.0e+00;
	v27 =	vtrunc.f32 v27;
	v30 =	vand.u32 $0xF, v25  }
0x61: {  	v25 =	vperm.xlane v11, v42;
	v42 =	vmul.f32 v50, v24;
	v24 =	vand.u32 $0xF, v33  }
0x62: {  	v57 =	vmin.f32 v36, $5.000000000e+00;
	v49 =	vperm.xlane v10, v30;
	v28 =	vperm.xlane v11, v24  }
0x63: {  	v62 =	vadd.f32 v37, v12;
	v33 =	vperm.xlane v10, v24;
	v24 =	vcvt.f32.s32 v38  }
0x64: {  	[tilespmem:s25+$0x8480] =	vst v29;
	v29 =	vtrunc.f32 v60;
	v27 =	vcvt.f32.s32 v27;
	v26 =	vadd.f32 v26, v42  }
0x65: {  	v30 =	vperm.xlane v11, v30;
	v31 =	vmul.f32 v49, v31;
	v55 =	vand.u32 $0xF, v24  }
0x66: {  	v27 =	vand.u32 $0xF, v27;
	v56 =	vperm.xlane v10, v55;
	[tilespmem:s25+$0x84B0] =	vst v26;
	v26 =	vmul.f32 v48, v40  }
0x67: {  	v46 =	vadd.f32 v30, v31;
	v31 =	vperm.xlane v10, v35;
	v30 =	vperm.xlane v10, v27  }
0x68: {  	v39 =	vmax.f32 v62, $0.0e+00;
	v35 =	vperm.xlane v11, v35;
	v36 =	vmul.f32 v56, v34  }
0x69: {  	v23 =	vmul.f32 v31, v23;
	v31 =	vmax.f32 v32, $0.0e+00;
	v32 =	vperm.xlane v11, v55  }
0x6a: {  	v52 =	vmin.f32 v31, $5.000000000e+00;
	v31 =	vperm.xlane v11, v27;
	v27 =	vmin.f32 v41, $5.000000000e+00  }
0x6b: {  	v41 =	vand.u32 $0xF, v54;
	v27 =	vtrunc.f32 v27;
	v34 =	vtrunc.f32 v52  }
0x6c: {  	v58 =	vperm.xlane v10, v41;
	v59 =	vadd.f32 v35, v23;
	v23 =	vtrunc.f32 v57  }
0x6d: {  	v38 =	vand.u32 $0xF, v63;
	v35 =	vcvt.f32.s32 v29;
	v61 =	vcvt.f32.s32 v27  }
0x6e: {  	s28 =	simm.s32 $0x0;
	s29 =	simm.s32 $0x10;
	v24 =	vand.u32 $0xF, v53;
	[tilespmem:s25+$0x8490] =	vst v46;
	v29 =	vperm.xlane v11, v41;
	v23 =	vcvt.f32.s32 v23  }
0x6f: {  	s30 =	simm.s32 $0x1;
	s31 =	simm.s32 $0x800;
	s23 =	sshll.u32 s22, $0x1;
	v27 =	vmul.f32 v58, v22;
	[tilespmem:s25+$0x84E0] =	vst v59;
	v22 =	vperm.xlane v10, v24;
	v37 =	vand.u32 $0xF, v61  }
.LBB2_3:
0x70: {  	s0 =	sand.u32 $0x7, s30;
	s2 =	sand.u32 $0x3800, s31;
	s3 =	sand.u32 $0x380, s29;
	v32 =	vadd.f32 v32, v36;
	v36 =	vperm.xlane v11, v37;
	v21 =	vmul.f32 v30, v21  }
0x71: {  	s28 =	sadd.s32 $0x100, s28;
	v20 =	vmul.f32 v33, v20;
	v30 =	vperm.xlane v11, v24;
	s0 =	sshll.u32 s0, $0xB;
	s2 =	sor.u32 s3, s2;
	v25 =	vadd.f32 v25, v26  }
0x72: {  	v33 =	vcvt.f32.s32 v34;
	p1 =	slt.u32 s28, $0x3F00;
	v19 =	vmul.f32 v22, v19;
	s0 =	sadd.s32 s0, s29;
	v26 =	vld [tilespmem:s2+$0x4C0];
	[tilespmem:s26+$0x8080] =	vst v32;
	v21 =	vadd.f32 v31, v21  }
0x73: {  	v34 =	vperm.xlane v11, v38;
	v31 =	vmin.f32 v39, $5.000000000e+00;
	v32 =	vperm.xlane v10, v37;
	s26 =	sor.u32 $0x70, s0;
	v22 =	vld [tilespmem:s2+$0x4E0];
	s0 =	sor.u32 $0x470, s0  }
0x74: {  	v20 =	vadd.f32 v28, v20;
	v28 =	vperm.xlane v10, v38;
	v31 =	vtrunc.f32 v31;
	v24 =	vld [tilespmem:s2+$0x4B0];
	[tilespmem:s25+$0x84D0] =	vst v25  }
0x75: {  	v35 =	vand.u32 $0xF, v35;
	v33 =	vand.u32 $0xF, v33;
	v31 =	vcvt.f32.s32 v31;
	v25 =	vld [tilespmem:s2+$0x4A0]  }
0x76: {  	v38 =	vand.u32 $0xF, v23;
	v39 =	vperm.xlane v11, v35;
	v30 =	vadd.f32 v30, v19;
	v37 =	vld [tilespmem:s2+$0x480];
	[tilespmem:s25+$0x80B0] =	vst v20  }
0x77: {  	v35 =	vperm.xlane v10, v35;
	v40 =	vperm.xlane v10, v38;
	v31 =	vand.u32 $0xF, v31;
	v23 =	vld [tilespmem:s2+$0xE0];
	[tilespmem:s24+$0x8080] =	vst v21;
	s24 =	smov.u32 s0  }
0x78: {  	v41 =	vperm.xlane v11, v33;
	v21 =	vadd.f32 v29, v27;
	v19 =	vld [tilespmem:s2+$0xD0];
	v20 =	vmul.f32 v22, v9  }
0x79: {  	v42 =	vperm.xlane v11, v31;
	v29 =	vld [tilespmem:s2+$0x90];
	v27 =	vmul.f32 v24, v9  }
0x7a: {  	v28 =	vmul.f32 v28, v16;
	v44 =	vmul.f32 v26, v9;
	v43 =	vld [tilespmem:s2+$0xC0];
	v45 =	vadd.f32 v20, v12;
	[tilespmem:s25+$0x80E0] =	vst v21  }
0x7b: {  	v35 =	vmul.f32 v35, v18;
	v20 =	vld [tilespmem:s2+$0xB0];
	v46 =	vmul.f32 v37, v9;
	v21 =	vadd.f32 v27, v12;
	[tilespmem:s25+$0x80D0] =	vst v30  }
0x7c: {  	v34 =	vadd.f32 v34, v28;
	v16 =	vmovc v26;
	v30 =	vld [tilespmem:s2+$0x80];
	v47 =	vmul.f32 v23, v9;
	v18 =	vmax.f32 v45, $0.0e+00  }
0x7d: {  	v33 =	vperm.xlane v10, v33;
	v45 =	vld [tilespmem:s2+$0xA0];
	v26 =	vmul.f32 v19, v9;
	v48 =	vmax.f32 v21, $0.0e+00  }
0x7e: {  	v50 =	vmul.f32 v32, v17;
	v17 =	vmovc v25;
	v28 =	vmin.f32 v18, $5.000000000e+00;
	v49 =	vmul.f32 v29, v9;
	v27 =	vld [tilespmem:s26+$0x80];
	[tilespmem:s25+$0x84C0] =	vst v34  }
0x7f: {  	v33 =	vmul.f32 v33, v15;
	v34 =	vmul.f32 v43, v9;
	v25 =	vadd.f32 v26, v12;
	v21 =	vld [tilespmem:s24+$0x80];
	v18 =	vmovc v29  }
0x80: {  	v26 =	vadd.f32 v46, v12;
	v29 =	vadd.f32 v39, v35;
	v15 =	vmovc v43;
	v51 =	vmul.f32 v20, v9  }
0x81: {  	v38 =	vperm.xlane v11, v38;
	v35 =	vadd.f32 v47, v12;
	v32 =	vmul.f32 v30, v9  }
0x82: {  	v31 =	vperm.xlane v10, v31;
	v25 =	vmax.f32 v25, $0.0e+00;
	v39 =	vmax.f32 v26, $0.0e+00;
	v26 =	vld [tilespmem:s2+$0x4D0];
	[tilespmem:s25+$0x8090] =	vst v29  }
0x83: {  	v29 =	vmul.f32 v45, v9;
	v39 =	vmin.f32 v39, $5.000000000e+00;
	v43 =	vmul.f32 v27, v9  }
0x84: {  	v47 =	vmul.f32 v17, v9;
	v46 =	vadd.f32 v49, v12;
	v39 =	vtrunc.f32 v39  }
0x85: {  	v36 =	vadd.f32 v36, v50;
	v48 =	vmin.f32 v48, $5.000000000e+00;
	v39 =	vcvt.f32.s32 v39  }
0x86: {  	v33 =	vadd.f32 v41, v33;
	v44 =	vadd.f32 v44, v12;
	v35 =	vmax.f32 v35, $0.0e+00;
	v49 =	vld [tilespmem:s2+$0x490]  }
0x87: {  	v50 =	vmul.f32 v21, v9;
	v39 =	vand.u32 $0xF, v39;
	v41 =	vmul.f32 v26, v9;
	[tilespmem:s25+$0x84A0] =	vst v36  }
0x88: {  	v31 =	vmul.f32 v31, v14;
	v44 =	vmax.f32 v44, $0.0e+00;
	v14 =	vmovc v45;
	v36 =	vperm.xlane v10, v39;
	[tilespmem:s25+$0x80C0] =	vst v33  }
0x89: {  	v40 =	vmul.f32 v40, v13;
	v13 =	vmovc v30;
	v33 =	vperm.xlane v11, v39;
	v39 =	vadd.f32 v41, v12  }
0x8a: {  	v30 =	vadd.f32 v51, v12;
	v36 =	vmul.f32 v36, v37;
	v37 =	vmin.f32 v44, $5.000000000e+00  }
0x8b: {  	v44 =	vadd.f32 v50, v12;
	v41 =	vmul.f32 v49, v9;
	v39 =	vmax.f32 v39, $0.0e+00  }
0x8c: {  	v45 =	vtrunc.f32 v37;
	v33 =	vadd.f32 v33, v36;
	v36 =	vadd.f32 v38, v40  }
0x8d: {  	v37 =	vadd.f32 v43, v12;
	v40 =	vmax.f32 v44, $0.0e+00;
	v38 =	vadd.f32 v41, v12  }
0x8e: {  	v31 =	vadd.f32 v42, v31;
	v39 =	vmin.f32 v39, $5.000000000e+00;
	v40 =	vmin.f32 v40, $5.000000000e+00;
	[tilespmem:s25+$0x8080] =	vst v36  }
0x8f: {  	v36 =	vtrunc.f32 v39;
	[tilespmem:s2+$0x8480] =	vst v33;
	v33 =	vmax.f32 v38, $0.0e+00;
	v38 =	vtrunc.f32 v40  }
0x90: {  	v36 =	vcvt.f32.s32 v36;
	v33 =	vmin.f32 v33, $5.000000000e+00;
	v38 =	vcvt.f32.s32 v38;
	[tilespmem:s25+$0x80A0] =	vst v31;
	s25 =	smov.u32 s2  }
0x91: {  	v25 =	vmin.f32 v25, $5.000000000e+00;
	v31 =	vmax.f32 v37, $0.0e+00;
	v33 =	vtrunc.f32 v33  }
0x92: {  	v31 =	vmin.f32 v31, $5.000000000e+00;
	v36 =	vand.u32 $0xF, v36;
	v33 =	vcvt.f32.s32 v33  }
0x93: {  	v37 =	vtrunc.f32 v25;
	v40 =	vperm.xlane v10, v36;
	v38 =	vand.u32 $0xF, v38  }
0x94: {  	v39 =	vtrunc.f32 v48;
	v25 =	vperm.xlane v11, v36;
	v33 =	vand.u32 $0xF, v33  }
0x95: {  	v30 =	vmax.f32 v30, $0.0e+00;
	v36 =	vtrunc.f32 v31;
	v31 =	vperm.xlane v10, v33  }
0x96: {  	v30 =	vmin.f32 v30, $5.000000000e+00;
	v41 =	vadd.f32 v47, v12;
	v33 =	vperm.xlane v11, v33  }
0x97: {  	v34 =	vadd.f32 v34, v12;
	v30 =	vtrunc.f32 v30;
	v31 =	vmul.f32 v31, v49  }
0x98: {  	v35 =	vmin.f32 v35, $5.000000000e+00;
	v42 =	vcvt.f32.s32 v30;
	v41 =	vmax.f32 v41, $0.0e+00  }
0x99: {  	v30 =	vperm.xlane v10, v38;
	v31 =	vadd.f32 v33, v31;
	v33 =	vcvt.f32.s32 v39  }
0x9a: {  	v34 =	vmax.f32 v34, $0.0e+00;
	v39 =	vand.u32 $0xF, v42;
	v42 =	vtrunc.f32 v28  }
0x9b: {  	v35 =	vtrunc.f32 v35;
	v28 =	vperm.xlane v11, v39;
	[tilespmem:s25+$0x8490] =	vst v31;
	v43 =	vand.u32 $0xF, v33  }
0x9c: {  	v34 =	vmin.f32 v34, $5.000000000e+00;
	v33 =	vperm.xlane v10, v39;
	v39 =	vperm.xlane v10, v43  }
0x9d: {  	v41 =	vmin.f32 v41, $5.000000000e+00;
	v42 =	vcvt.f32.s32 v42;
	v31 =	vperm.xlane v11, v38  }
0x9e: {  	v36 =	vcvt.f32.s32 v36;
	v38 =	vmax.f32 v46, $0.0e+00;
	v39 =	vmul.f32 v39, v24  }
0x9f: {  	v35 =	vcvt.f32.s32 v35;
	v24 =	vcvt.f32.s32 v37;
	v37 =	vand.u32 $0xF, v42  }
0xa0: {  	v36 =	vand.u32 $0xF, v36;
	v42 =	vadd.f32 v32, v12;
	v44 =	vperm.xlane v10, v37  }
0xa1: {  	v43 =	vperm.xlane v11, v43;
	v32 =	vperm.xlane v11, v36;
	v24 =	vand.u32 $0xF, v24  }
0xa2: {  	v46 =	vand.u32 $0xF, v35;
	v35 =	vperm.xlane v10, v36;
	v37 =	vperm.xlane v11, v37  }
0xa3: {  	v36 =	vmax.f32 v42, $0.0e+00;
	v39 =	vadd.f32 v43, v39;
	v22 =	vmul.f32 v44, v22  }
0xa4: {  	v42 =	vmin.f32 v36, $5.000000000e+00;
	v36 =	vmul.f32 v35, v27;
	v27 =	vtrunc.f32 v41  }
0xa5: {  	v34 =	vtrunc.f32 v34;
	v35 =	vperm.xlane v10, v46;
	v22 =	vadd.f32 v37, v22;
	[tilespmem:s25+$0x84B0] =	vst v39  }
.Ltmp2:
0xa6: {  	v38 =	vmin.f32 v38, $5.000000000e+00;
	v37 =	vtrunc.f32 v42;
	v39 =	vcvt.f32.s32 v27;
	(pc) =	sbr.rel @p1 .LBB2_3-.Ltmp2, $4  }
0xa7: {  	v29 =	vadd.f32 v29, v12;
	v38 =	vtrunc.f32 v38;
	v27 =	vmul.f32 v35, v23;
	[tilespmem:s25+$0x84E0] =	vst v22  }
0xa8: {  	v41 =	vcvt.f32.s32 v45;
	v23 =	vcvt.f32.s32 v37;
	v37 =	vand.u32 $0xF, v39  }
0xa9: {  	v35 =	vcvt.f32.s32 v38;
	v39 =	vmax.f32 v29, $0.0e+00;
	v29 =	vperm.xlane v11, v46  }
0xaa: {  	s30 =	sadd.s32 $0x1, s30;
	s31 =	sadd.s32 $0x800, s31;
	s29 =	sadd.s32 $0x10, s29;
	v26 =	vmul.f32 v40, v26;
	v38 =	vand.u32 $0xF, v41;
	v22 =	vperm.xlane v10, v24  }
0xab: {  	v40 =	vperm.xlane v11, v37;
	v21 =	vmul.f32 v30, v21  }
0xac: {  	v20 =	vmul.f32 v33, v20;
	v24 =	vperm.xlane v11, v24  }
0xad: {  	v32 =	vadd.f32 v32, v36;
	v50 =	vcvt.f32.s32 v34;
	v52 =	vperm.xlane v10, v37  }
0xae: {  	v51 =	vmin.f32 v39, $5.000000000e+00;
	v53 =	vperm.xlane v11, v38;
	v54 =	vperm.xlane v10, v38  }
0xaf: {  	v55 =	vand.u32 $0xF, v35;
	v23 =	vand.u32 $0xF, v23;
	v19 =	vmul.f32 v22, v19  }
0xb0: {  	v27 =	vadd.f32 v29, v27;
	v22 =	vtrunc.f32 v51;
	v56 =	vperm.xlane v11, v55  }
0xb1: {  	v25 =	vadd.f32 v25, v26;
	v57 =	vperm.xlane v10, v55;
	v58 =	vperm.xlane v10, v23;
	[tilespmem:s26+$0x8080] =	vst v32  }
0xb2: {  	v62 =	vperm.xlane v11, v23;
	v21 =	vadd.f32 v31, v21;
	v20 =	vadd.f32 v28, v20;
	[tilespmem:s25+$0x80E0] =	vst v27  }
0xb3: {  	v22 =	vcvt.f32.s32 v22;
	v26 =	vand.u32 $0xF, v50;
	v16 =	vmul.f32 v54, v16;
	[tilespmem:s25+$0x84D0] =	vst v25  }
0xb4: {  	v17 =	vmul.f32 v52, v17;
	v19 =	vadd.f32 v24, v19;
	v18 =	vmul.f32 v57, v18;
	[tilespmem:s25+$0x80B0] =	vst v20  }
0xb5: {  	v59 =	vperm.xlane v10, v26;
	v22 =	vand.u32 $0xF, v22;
	[tilespmem:s24+$0x8080] =	vst v21;
	v16 =	vadd.f32 v53, v16  }
0xb6: {  	v13 =	vmul.f32 v58, v13;
	v17 =	vadd.f32 v40, v17;
	[tilespmem:s25+$0x80D0] =	vst v19;
	v61 =	vperm.xlane v10, v22  }
0xb7: {  	v60 =	vperm.xlane v11, v26;
	v15 =	vmul.f32 v59, v15;
	v18 =	vadd.f32 v56, v18;
	[tilespmem:s25+$0x84C0] =	vst v16  }
0xb8: {  	p1 =	sne.s32 s22, $0x1F;
	v63 =	vperm.xlane v11, v22;
	v13 =	vadd.f32 v62, v13;
	[tilespmem:s25+$0x84A0] =	vst v17;
	v14 =	vmul.f32 v61, v14  }
.Ltmp3:
0xb9: {  	[tilespmem:s25+$0x8090] =	vst v18;
	v15 =	vadd.f32 v60, v15;
	(pc) =	sbr.rel @p1 .LBB2_6-.Ltmp3, $4  }
0xba: {  	[tilespmem:s25+$0x8080] =	vst v13;
	v14 =	vadd.f32 v63, v14  }
0xbb: {  	s24 =	sshll.u32 s22, $0xC;
	[tilespmem:s25+$0x80C0] =	vst v15  }
0xbc: {  	s0 =	sadd.s32 s24, s7;
	[tilespmem:s25+$0x80A0] =	vst v14  }
0xbd: {  	[hbm4b:s0+s4] =	stream.linear.scatter [tilespmem:s16], [sflag:$0x3], $0x4000, $0x38;
	[tilespmem:$0x10080] =	vst v63  }
.Ltmp4:
0xbe: {  	(pc) =	sbr.rel .LBB2_7-.Ltmp4, $4  }
0xbf: {  	_ = 	snop  }
0xc0: {  	_ =	swait.ge [sflag:s17], $0x4000  }
0xc1: {  	[sflag:s17] =	ssyncset.done $0x0  }
0xc2: {  	[sflag:s17] =	ssyncadd.s32 $0xFFFFC000  }
.LBB2_6:
0xc3: {  	s0 =	sadd.s32 s23, s8  }
0xc4: {  	s0 =	sshll.u32 s0, $0xB  }
0xc5: {  	s0 =	sand.u32 $0x1FFFF000, s0  }
.Ltmp5:
0xc6: {  	s0 =	sadd.s32 s1, s0;
	(pc) =	sbr.rel @p0 .LBB2_8-.Ltmp5, $4  }
0xc7: {  	[tilespmem:s13], [sflag:$0x1] =	stream.linear.gather [hbm4b:s0+s4], $0x4000, $0x38;
	[tilespmem:$0x10080] =	vst v63  }
0xc8: {  	_ =	swait.ge [sflag:s17], $0x4000  }
0xc9: {  	[sflag:s17] =	ssyncset.done $0x0  }
0xca: {  	[sflag:s17] =	ssyncadd.s32 $0xFFFFC000  }
.LBB2_7:
0xcb: {  	_ =	swait.ge [sflag:s18], $0x4000  }
0xcc: {  	[sflag:s18] =	ssyncset.done $0x0  }
0xcd: {  	[sflag:s18] =	ssyncadd.s32 $0xFFFFC000  }
.LBB2_8:
0xce: {  	s0 =	simm.s32 $0x0  }
0xcf: {  	s2 =	sand.u32 $0x3800, s0;
	s3 =	sand.u32 $0x380, s0  }
0xd0: {  	s25 =	sor.u32 s3, s2  }
0xd1: {  	v16 =	vld [tilespmem:s25+$0x44C0]  }
0xd2: {  	v23 =	vld [tilespmem:s25+$0x44E0]  }
0xd3: {  	v24 =	vld [tilespmem:s25+$0x44B0]  }
0xd4: {  	v25 =	vld [tilespmem:s25+$0x4480]  }
0xd5: {  	v22 =	vld [tilespmem:s25+$0x40E0]  }
0xd6: {  	v19 =	vld [tilespmem:s25+$0x40D0]  }
0xd7: {  	s0 =	sand.u32 $0x7, s0;
	v18 =	vld [tilespmem:s25+$0x4090]  }
0xd8: {  	s0 =	sshll.u32 s0, $0xB;
	v15 =	vld [tilespmem:s25+$0x40C0]  }
0xd9: {  	v20 =	vld [tilespmem:s25+$0x40B0];
	s0 =	sadd.s32 $0x0, s0  }
0xda: {  	v40 =	vld [tilespmem:s25+$0x44D0];
	s28 =	sor.u32 $0x70, s0;
	v13 =	vmul.f32 v23, v9;
	v14 =	vmul.f32 v24, v9  }
0xdb: {  	v34 =	vld [tilespmem:s28+$0x4080];
	v17 =	vmul.f32 v25, v9;
	v27 =	vmul.f32 v16, v9  }
0xdc: {  	v28 =	vmul.f32 v22, v9;
	v30 =	vmul.f32 v19, v9  }
0xdd: {  	v31 =	vmul.f32 v18, v9;
	v32 =	vmul.f32 v15, v9;
	v21 =	vadd.f32 v13, v12  }
0xde: {  	v33 =	vmul.f32 v20, v9;
	v26 =	vadd.f32 v14, v12;
	v29 =	vadd.f32 v17, v12  }
0xdf: {  	v42 =	vmul.f32 v40, v9;
	v30 =	vadd.f32 v30, v12;
	v28 =	vadd.f32 v28, v12  }
0xe0: {  	v38 =	vmul.f32 v34, v9;
	v39 =	vadd.f32 v31, v12;
	v27 =	vadd.f32 v27, v12  }
0xe1: {  	v42 =	vadd.f32 v42, v12;
	v33 =	vadd.f32 v33, v12;
	v21 =	vmax.f32 v21, $0.0e+00  }
0xe2: {  	v26 =	vmax.f32 v26, $0.0e+00;
	v29 =	vmax.f32 v29, $0.0e+00;
	v30 =	vmax.f32 v30, $0.0e+00  }
0xe3: {  	v28 =	vmax.f32 v28, $0.0e+00;
	v27 =	vmax.f32 v27, $0.0e+00;
	v42 =	vmax.f32 v42, $0.0e+00  }
0xe4: {  	v13 =	vld [tilespmem:s25+$0x4080];
	v33 =	vmax.f32 v33, $0.0e+00;
	v29 =	vmin.f32 v29, $5.000000000e+00;
	v35 =	vmin.f32 v21, $5.000000000e+00  }
0xe5: {  	v14 =	vld [tilespmem:s25+$0x40A0];
	v26 =	vmin.f32 v26, $5.000000000e+00;
	v27 =	vmin.f32 v27, $5.000000000e+00;
	v42 =	vmin.f32 v42, $5.000000000e+00  }
0xe6: {  	v17 =	vld [tilespmem:s25+$0x44A0];
	v30 =	vmin.f32 v30, $5.000000000e+00;
	v29 =	vtrunc.f32 v29;
	v45 =	vtrunc.f32 v27  }
0xe7: {  	v31 =	vld [tilespmem:s25+$0x4490];
	v33 =	vmin.f32 v33, $5.000000000e+00;
	v42 =	vtrunc.f32 v42;
	v63 =	vtrunc.f32 v30  }
0xe8: {  	v47 =	vmin.f32 v28, $5.000000000e+00;
	v26 =	vtrunc.f32 v26;
	v35 =	vtrunc.f32 v35  }
0xe9: {  	v33 =	vtrunc.f32 v33;
	v51 =	vtrunc.f32 v47  }
0xea: {  	v32 =	vadd.f32 v32, v12;
	v36 =	vmul.f32 v13, v9;
	v29 =	vcvt.f32.s32 v29  }
0xeb: {  	v38 =	vadd.f32 v38, v12;
	v37 =	vmul.f32 v14, v9;
	v41 =	vmul.f32 v17, v9  }
0xec: {  	s26 =	sor.u32 $0x470, s0;
	v62 =	vmul.f32 v31, v9;
	v42 =	vcvt.f32.s32 v42;
	v29 =	vand.u32 $0xF, v29  }
0xed: {  	v39 =	vmax.f32 v39, $0.0e+00;
	v21 =	vld [tilespmem:s26+$0x4080];
	v26 =	vcvt.f32.s32 v26;
	v43 =	vperm.xlane v10, v29  }
0xee: {  	v60 =	vmin.f32 v39, $5.000000000e+00;
	v35 =	vcvt.f32.s32 v35;
	v33 =	vcvt.f32.s32 v33  }
0xef: {  	v38 =	vmax.f32 v38, $0.0e+00;
	v29 =	vperm.xlane v11, v29;
	v25 =	vmul.f32 v43, v25  }
0xf0: {  	v38 =	vmin.f32 v38, $5.000000000e+00;
	v53 =	vcvt.f32.s32 v63;
	v54 =	vcvt.f32.s32 v51  }
0xf1: {  	v63 =	vcvt.f32.s32 v45;
	v29 =	vadd.f32 v29, v25;
	v25 =	vadd.f32 v62, v12  }
0xf2: {  	v38 =	vtrunc.f32 v38;
	v42 =	vand.u32 $0xF, v42;
	v44 =	vmul.f32 v21, v9  }
0xf3: {  	v41 =	vadd.f32 v41, v12;
	v26 =	vand.u32 $0xF, v26;
	v25 =	vmax.f32 v25, $0.0e+00  }
0xf4: {  	v35 =	vand.u32 $0xF, v35;
	v44 =	vadd.f32 v44, v12;
	v25 =	vmin.f32 v25, $5.000000000e+00  }
0xf5: {  	v36 =	vadd.f32 v36, v12;
	v48 =	vperm.xlane v10, v42;
	v25 =	vtrunc.f32 v25  }
0xf6: {  	v50 =	vperm.xlane v10, v26;
	v27 =	vmax.f32 v44, $0.0e+00;
	v25 =	vcvt.f32.s32 v25  }
0xf7: {  	v26 =	vperm.xlane v11, v26;
	v41 =	vmax.f32 v41, $0.0e+00;
	v27 =	vmin.f32 v27, $5.000000000e+00  }
0xf8: {  	v36 =	vmax.f32 v36, $0.0e+00;
	v27 =	vtrunc.f32 v27;
	v30 =	vand.u32 $0xF, v25  }
0xf9: {  	v25 =	vperm.xlane v11, v42;
	v42 =	vmul.f32 v50, v24;
	v24 =	vand.u32 $0xF, v33  }
0xfa: {  	v57 =	vmin.f32 v36, $5.000000000e+00;
	v49 =	vperm.xlane v10, v30;
	v28 =	vperm.xlane v11, v24  }
0xfb: {  	v62 =	vadd.f32 v37, v12;
	v33 =	vperm.xlane v10, v24;
	v24 =	vcvt.f32.s32 v38  }
0xfc: {  	[tilespmem:s25+$0xC480] =	vst v29;
	v29 =	vtrunc.f32 v60;
	v27 =	vcvt.f32.s32 v27;
	v26 =	vadd.f32 v26, v42  }
0xfd: {  	v30 =	vperm.xlane v11, v30;
	v31 =	vmul.f32 v49, v31;
	v55 =	vand.u32 $0xF, v24  }
0xfe: {  	v27 =	vand.u32 $0xF, v27;
	v56 =	vperm.xlane v10, v55;
	[tilespmem:s25+$0xC4B0] =	vst v26;
	v26 =	vmul.f32 v48, v40  }
0xff: {  	v46 =	vadd.f32 v30, v31;
	v31 =	vperm.xlane v10, v35;
	v30 =	vperm.xlane v10, v27  }
0x100: {  	v39 =	vmax.f32 v62, $0.0e+00;
	v35 =	vperm.xlane v11, v35;
	v36 =	vmul.f32 v56, v34  }
0x101: {  	v23 =	vmul.f32 v31, v23;
	v31 =	vmax.f32 v32, $0.0e+00;
	v32 =	vperm.xlane v11, v55  }
0x102: {  	v52 =	vmin.f32 v31, $5.000000000e+00;
	v31 =	vperm.xlane v11, v27;
	v27 =	vmin.f32 v41, $5.000000000e+00  }
0x103: {  	v41 =	vand.u32 $0xF, v54;
	v27 =	vtrunc.f32 v27;
	v34 =	vtrunc.f32 v52  }
0x104: {  	v58 =	vperm.xlane v10, v41;
	v59 =	vadd.f32 v35, v23;
	v23 =	vtrunc.f32 v57  }
0x105: {  	v38 =	vand.u32 $0xF, v63;
	v35 =	vcvt.f32.s32 v29;
	v61 =	vcvt.f32.s32 v27  }
0x106: {  	s29 =	simm.s32 $0x0;
	v24 =	vand.u32 $0xF, v53;
	[tilespmem:s25+$0xC490] =	vst v46;
	v29 =	vperm.xlane v11, v41;
	v23 =	vcvt.f32.s32 v23  }
0x107: {  	s30 =	simm.s32 $0x10;
	s31 =	simm.s32 $0x1;
	s2 =	simm.s32 $0x800;
	v27 =	vmul.f32 v58, v22;
	[tilespmem:s25+$0xC4E0] =	vst v59;
	v22 =	vperm.xlane v10, v24;
	v37 =	vand.u32 $0xF, v61  }
.LBB2_9:
0x108: {  	s0 =	sand.u32 $0x7, s31;
	s3 =	sand.u32 $0x3800, s2;
	s6 =	sand.u32 $0x380, s30;
	v32 =	vadd.f32 v32, v36;
	v36 =	vperm.xlane v11, v37;
	v21 =	vmul.f32 v30, v21  }
0x109: {  	s29 =	sadd.s32 $0x100, s29;
	v20 =	vmul.f32 v33, v20;
	v30 =	vperm.xlane v11, v24;
	s10 =	sshll.u32 s0, $0xB;
	s0 =	sor.u32 s6, s3;
	v25 =	vadd.f32 v25, v26  }
0x10a: {  	v33 =	vcvt.f32.s32 v34;
	p0 =	slt.u32 s29, $0x3F00;
	v19 =	vmul.f32 v22, v19;
	s3 =	sadd.s32 s10, s30;
	v26 =	vld [tilespmem:s0+$0x44C0];
	[tilespmem:s28+$0xC080] =	vst v32;
	v21 =	vadd.f32 v31, v21  }
0x10b: {  	v34 =	vperm.xlane v11, v38;
	v31 =	vmin.f32 v39, $5.000000000e+00;
	v32 =	vperm.xlane v10, v37;
	s28 =	sor.u32 $0x70, s3;
	v22 =	vld [tilespmem:s0+$0x44E0];
	s3 =	sor.u32 $0x470, s3  }
0x10c: {  	v20 =	vadd.f32 v28, v20;
	v28 =	vperm.xlane v10, v38;
	v31 =	vtrunc.f32 v31;
	v24 =	vld [tilespmem:s0+$0x44B0];
	[tilespmem:s25+$0xC4D0] =	vst v25  }
0x10d: {  	v35 =	vand.u32 $0xF, v35;
	v33 =	vand.u32 $0xF, v33;
	v31 =	vcvt.f32.s32 v31;
	v25 =	vld [tilespmem:s0+$0x44A0]  }
0x10e: {  	v38 =	vand.u32 $0xF, v23;
	v39 =	vperm.xlane v11, v35;
	v30 =	vadd.f32 v30, v19;
	v37 =	vld [tilespmem:s0+$0x4480];
	[tilespmem:s25+$0xC0B0] =	vst v20  }
0x10f: {  	v35 =	vperm.xlane v10, v35;
	v40 =	vperm.xlane v10, v38;
	v31 =	vand.u32 $0xF, v31;
	v23 =	vld [tilespmem:s0+$0x40E0];
	[tilespmem:s26+$0xC080] =	vst v21;
	s26 =	smov.u32 s3  }
0x110: {  	v41 =	vperm.xlane v11, v33;
	v21 =	vadd.f32 v29, v27;
	v19 =	vld [tilespmem:s0+$0x40D0];
	v20 =	vmul.f32 v22, v9  }
0x111: {  	v42 =	vperm.xlane v11, v31;
	v29 =	vld [tilespmem:s0+$0x4090];
	v27 =	vmul.f32 v24, v9  }
0x112: {  	v28 =	vmul.f32 v28, v16;
	v44 =	vmul.f32 v26, v9;
	v43 =	vld [tilespmem:s0+$0x40C0];
	v45 =	vadd.f32 v20, v12;
	[tilespmem:s25+$0xC0E0] =	vst v21  }
0x113: {  	v35 =	vmul.f32 v35, v18;
	v20 =	vld [tilespmem:s0+$0x40B0];
	v46 =	vmul.f32 v37, v9;
	v21 =	vadd.f32 v27, v12;
	[tilespmem:s25+$0xC0D0] =	vst v30  }
0x114: {  	v34 =	vadd.f32 v34, v28;
	v16 =	vmovc v26;
	v30 =	vld [tilespmem:s0+$0x4080];
	v47 =	vmul.f32 v23, v9;
	v18 =	vmax.f32 v45, $0.0e+00  }
0x115: {  	v33 =	vperm.xlane v10, v33;
	v45 =	vld [tilespmem:s0+$0x40A0];
	v26 =	vmul.f32 v19, v9;
	v48 =	vmax.f32 v21, $0.0e+00  }
0x116: {  	v50 =	vmul.f32 v32, v17;
	v17 =	vmovc v25;
	v28 =	vmin.f32 v18, $5.000000000e+00;
	v49 =	vmul.f32 v29, v9;
	v27 =	vld [tilespmem:s28+$0x4080];
	[tilespmem:s25+$0xC4C0] =	vst v34  }
0x117: {  	v33 =	vmul.f32 v33, v15;
	v34 =	vmul.f32 v43, v9;
	v25 =	vadd.f32 v26, v12;
	v21 =	vld [tilespmem:s26+$0x4080];
	v18 =	vmovc v29  }
0x118: {  	v26 =	vadd.f32 v46, v12;
	v29 =	vadd.f32 v39, v35;
	v15 =	vmovc v43;
	v51 =	vmul.f32 v20, v9  }
0x119: {  	v38 =	vperm.xlane v11, v38;
	v35 =	vadd.f32 v47, v12;
	v32 =	vmul.f32 v30, v9  }
0x11a: {  	v31 =	vperm.xlane v10, v31;
	v25 =	vmax.f32 v25, $0.0e+00;
	v39 =	vmax.f32 v26, $0.0e+00;
	v26 =	vld [tilespmem:s0+$0x44D0];
	[tilespmem:s25+$0xC090] =	vst v29  }
0x11b: {  	v29 =	vmul.f32 v45, v9;
	v39 =	vmin.f32 v39, $5.000000000e+00;
	v43 =	vmul.f32 v27, v9  }
0x11c: {  	v47 =	vmul.f32 v17, v9;
	v46 =	vadd.f32 v49, v12;
	v39 =	vtrunc.f32 v39  }
0x11d: {  	v36 =	vadd.f32 v36, v50;
	v48 =	vmin.f32 v48, $5.000000000e+00;
	v39 =	vcvt.f32.s32 v39  }
0x11e: {  	v33 =	vadd.f32 v41, v33;
	v44 =	vadd.f32 v44, v12;
	v35 =	vmax.f32 v35, $0.0e+00;
	v49 =	vld [tilespmem:s0+$0x4490]  }
0x11f: {  	v50 =	vmul.f32 v21, v9;
	v39 =	vand.u32 $0xF, v39;
	v41 =	vmul.f32 v26, v9;
	[tilespmem:s25+$0xC4A0] =	vst v36  }
0x120: {  	v31 =	vmul.f32 v31, v14;
	v44 =	vmax.f32 v44, $0.0e+00;
	v14 =	vmovc v45;
	v36 =	vperm.xlane v10, v39;
	[tilespmem:s25+$0xC0C0] =	vst v33  }
0x121: {  	v40 =	vmul.f32 v40, v13;
	v13 =	vmovc v30;
	v33 =	vperm.xlane v11, v39;
	v39 =	vadd.f32 v41, v12  }
0x122: {  	v30 =	vadd.f32 v51, v12;
	v36 =	vmul.f32 v36, v37;
	v37 =	vmin.f32 v44, $5.000000000e+00  }
0x123: {  	v44 =	vadd.f32 v50, v12;
	v41 =	vmul.f32 v49, v9;
	v39 =	vmax.f32 v39, $0.0e+00  }
0x124: {  	v45 =	vtrunc.f32 v37;
	v33 =	vadd.f32 v33, v36;
	v36 =	vadd.f32 v38, v40  }
0x125: {  	v37 =	vadd.f32 v43, v12;
	v40 =	vmax.f32 v44, $0.0e+00;
	v38 =	vadd.f32 v41, v12  }
0x126: {  	v31 =	vadd.f32 v42, v31;
	v39 =	vmin.f32 v39, $5.000000000e+00;
	v40 =	vmin.f32 v40, $5.000000000e+00;
	[tilespmem:s25+$0xC080] =	vst v36  }
0x127: {  	v36 =	vtrunc.f32 v39;
	[tilespmem:s0+$0xC480] =	vst v33;
	v33 =	vmax.f32 v38, $0.0e+00;
	v38 =	vtrunc.f32 v40  }
0x128: {  	v36 =	vcvt.f32.s32 v36;
	v33 =	vmin.f32 v33, $5.000000000e+00;
	v38 =	vcvt.f32.s32 v38;
	[tilespmem:s25+$0xC0A0] =	vst v31;
	s25 =	smov.u32 s0  }
0x129: {  	v25 =	vmin.f32 v25, $5.000000000e+00;
	v31 =	vmax.f32 v37, $0.0e+00;
	v33 =	vtrunc.f32 v33  }
0x12a: {  	v31 =	vmin.f32 v31, $5.000000000e+00;
	v36 =	vand.u32 $0xF, v36;
	v33 =	vcvt.f32.s32 v33  }
0x12b: {  	v37 =	vtrunc.f32 v25;
	v40 =	vperm.xlane v10, v36;
	v38 =	vand.u32 $0xF, v38  }
0x12c: {  	v39 =	vtrunc.f32 v48;
	v25 =	vperm.xlane v11, v36;
	v33 =	vand.u32 $0xF, v33  }
0x12d: {  	v30 =	vmax.f32 v30, $0.0e+00;
	v36 =	vtrunc.f32 v31;
	v31 =	vperm.xlane v10, v33  }
0x12e: {  	v30 =	vmin.f32 v30, $5.000000000e+00;
	v41 =	vadd.f32 v47, v12;
	v33 =	vperm.xlane v11, v33  }
0x12f: {  	v34 =	vadd.f32 v34, v12;
	v30 =	vtrunc.f32 v30;
	v31 =	vmul.f32 v31, v49  }
0x130: {  	v35 =	vmin.f32 v35, $5.000000000e+00;
	v42 =	vcvt.f32.s32 v30;
	v41 =	vmax.f32 v41, $0.0e+00  }
0x131: {  	v30 =	vperm.xlane v10, v38;
	v31 =	vadd.f32 v33, v31;
	v33 =	vcvt.f32.s32 v39  }
0x132: {  	v34 =	vmax.f32 v34, $0.0e+00;
	v39 =	vand.u32 $0xF, v42;
	v42 =	vtrunc.f32 v28  }
0x133: {  	v35 =	vtrunc.f32 v35;
	v28 =	vperm.xlane v11, v39;
	[tilespmem:s25+$0xC490] =	vst v31;
	v43 =	vand.u32 $0xF, v33  }
0x134: {  	v34 =	vmin.f32 v34, $5.000000000e+00;
	v33 =	vperm.xlane v10, v39;
	v39 =	vperm.xlane v10, v43  }
0x135: {  	v41 =	vmin.f32 v41, $5.000000000e+00;
	v42 =	vcvt.f32.s32 v42;
	v31 =	vperm.xlane v11, v38  }
0x136: {  	v36 =	vcvt.f32.s32 v36;
	v38 =	vmax.f32 v46, $0.0e+00;
	v39 =	vmul.f32 v39, v24  }
0x137: {  	v35 =	vcvt.f32.s32 v35;
	v24 =	vcvt.f32.s32 v37;
	v37 =	vand.u32 $0xF, v42  }
0x138: {  	v36 =	vand.u32 $0xF, v36;
	v42 =	vadd.f32 v32, v12;
	v44 =	vperm.xlane v10, v37  }
0x139: {  	v43 =	vperm.xlane v11, v43;
	v32 =	vperm.xlane v11, v36;
	v24 =	vand.u32 $0xF, v24  }
0x13a: {  	v46 =	vand.u32 $0xF, v35;
	v35 =	vperm.xlane v10, v36;
	v37 =	vperm.xlane v11, v37  }
0x13b: {  	v36 =	vmax.f32 v42, $0.0e+00;
	v39 =	vadd.f32 v43, v39;
	v22 =	vmul.f32 v44, v22  }
0x13c: {  	v42 =	vmin.f32 v36, $5.000000000e+00;
	v36 =	vmul.f32 v35, v27;
	v27 =	vtrunc.f32 v41  }
0x13d: {  	v34 =	vtrunc.f32 v34;
	v35 =	vperm.xlane v10, v46;
	v22 =	vadd.f32 v37, v22;
	[tilespmem:s25+$0xC4B0] =	vst v39  }
.Ltmp6:
0x13e: {  	v38 =	vmin.f32 v38, $5.000000000e+00;
	v37 =	vtrunc.f32 v42;
	v39 =	vcvt.f32.s32 v27;
	(pc) =	sbr.rel @p0 .LBB2_9-.Ltmp6, $4  }
0x13f: {  	v29 =	vadd.f32 v29, v12;
	v38 =	vtrunc.f32 v38;
	v27 =	vmul.f32 v35, v23;
	[tilespmem:s25+$0xC4E0] =	vst v22  }
0x140: {  	v41 =	vcvt.f32.s32 v45;
	v23 =	vcvt.f32.s32 v37;
	v37 =	vand.u32 $0xF, v39  }
0x141: {  	v35 =	vcvt.f32.s32 v38;
	v39 =	vmax.f32 v29, $0.0e+00;
	v29 =	vperm.xlane v11, v46  }
0x142: {  	s31 =	sadd.s32 $0x1, s31;
	s2 =	sadd.s32 $0x800, s2;
	s30 =	sadd.s32 $0x10, s30;
	v26 =	vmul.f32 v40, v26;
	v38 =	vand.u32 $0xF, v41;
	v22 =	vperm.xlane v10, v24  }
0x143: {  	v40 =	vperm.xlane v11, v37;
	v21 =	vmul.f32 v30, v21  }
0x144: {  	v20 =	vmul.f32 v33, v20;
	v24 =	vperm.xlane v11, v24  }
0x145: {  	v32 =	vadd.f32 v32, v36;
	v50 =	vcvt.f32.s32 v34;
	v52 =	vperm.xlane v10, v37  }
0x146: {  	v51 =	vmin.f32 v39, $5.000000000e+00;
	v53 =	vperm.xlane v11, v38;
	v54 =	vperm.xlane v10, v38  }
0x147: {  	v55 =	vand.u32 $0xF, v35;
	v23 =	vand.u32 $0xF, v23;
	v19 =	vmul.f32 v22, v19  }
0x148: {  	v27 =	vadd.f32 v29, v27;
	v22 =	vtrunc.f32 v51;
	v56 =	vperm.xlane v11, v55  }
0x149: {  	v25 =	vadd.f32 v25, v26;
	v57 =	vperm.xlane v10, v55;
	v58 =	vperm.xlane v10, v23;
	[tilespmem:s28+$0xC080] =	vst v32  }
0x14a: {  	v62 =	vperm.xlane v11, v23;
	v21 =	vadd.f32 v31, v21;
	v20 =	vadd.f32 v28, v20;
	[tilespmem:s25+$0xC0E0] =	vst v27  }
0x14b: {  	v22 =	vcvt.f32.s32 v22;
	v26 =	vand.u32 $0xF, v50;
	v16 =	vmul.f32 v54, v16;
	[tilespmem:s25+$0xC4D0] =	vst v25  }
0x14c: {  	v17 =	vmul.f32 v52, v17;
	v19 =	vadd.f32 v24, v19;
	v18 =	vmul.f32 v57, v18;
	[tilespmem:s25+$0xC0B0] =	vst v20  }
0x14d: {  	v59 =	vperm.xlane v10, v26;
	v22 =	vand.u32 $0xF, v22;
	[tilespmem:s26+$0xC080] =	vst v21;
	v16 =	vadd.f32 v53, v16  }
0x14e: {  	v13 =	vmul.f32 v58, v13;
	v17 =	vadd.f32 v40, v17;
	[tilespmem:s25+$0xC0D0] =	vst v19;
	v61 =	vperm.xlane v10, v22  }
0x14f: {  	v60 =	vperm.xlane v11, v26;
	v15 =	vmul.f32 v59, v15;
	v18 =	vadd.f32 v56, v18;
	[tilespmem:s25+$0xC4C0] =	vst v16  }
0x150: {  	p0 =	seq.s32 s22, $0x1F;
	v63 =	vperm.xlane v11, v22;
	v13 =	vadd.f32 v62, v13;
	[tilespmem:s25+$0xC4A0] =	vst v17;
	v14 =	vmul.f32 v61, v14  }
.Ltmp7:
0x151: {  	[tilespmem:s25+$0xC090] =	vst v18;
	v15 =	vadd.f32 v60, v15;
	(pc) =	sbr.rel @p0 .LBB2_12-.Ltmp7, $4  }
0x152: {  	[tilespmem:s25+$0xC080] =	vst v13;
	v14 =	vadd.f32 v63, v14  }
0x153: {  	[tilespmem:s25+$0xC0C0] =	vst v15  }
0x154: {  	s0 =	sadd.s32 s11, s24;
	[tilespmem:s25+$0xC0A0] =	vst v14  }
0x155: {  	[hbm4b:s0+s4] =	stream.linear.scatter [tilespmem:s19], [sflag:$0x4], $0x4000, $0x38;
	[tilespmem:$0x10080] =	vst v63  }
.Ltmp8:
0x156: {  	(pc) =	sbr.rel .LBB2_2-.Ltmp8, $4  }
0x157: {  	s0 =	sadd.s32 s23, s9  }
0x158: {  	s0 =	sshll.u32 s0, $0xB  }
0x159: {  	s22 =	sadd.s32 $0x1, s22;
	s0 =	sadd.s32 s1, s0  }
0x15a: {  	[tilespmem:s14], [sflag:$0x2] =	stream.linear.gather [hbm4b:s0+s4], $0x4000, $0x38;
	[tilespmem:$0x10080] =	vst v63  }
.LBB2_13:
0x15b: {  	_ =	sfence.sel $0x180000  }
0x15c: {  	[bflag:$0x0] =	sbarrier.arrive $0xFFFF  }
0x15d: {  	_ =	strace $0x90000047  }
0x15e: {  	s0 =	stileid.u32;
	[bflag:$0x2] =	sbarrier.arrive $0xFFFF  }
0x15f: {  	p0 =	sne.s32 s0, $0x0;
	s0 =	rddreg [dreg:$0x3]  }
0x160: {  	s0 =	sadd.s32 @!p0 $0x100000, s0  }
0x161: {  	[sflag:s0] =	ssyncadd.tile.s32 @!p0 $0x1;
	_ =	shalt  }
.Lfunc_end2:
_tile_overlayer_lowered:
.L_overlay_start_2:
0x162: {  	(tag) =	ssettag $0x2  }
0x163: {  	s0 =	rddreg [dreg:$0x0];
	s2 =	stileid.u32  }
0x164: {  	s1 =	rddreg [dreg:$0x1];
	p0 =	sne.s32 s2, $0x0  }
0x165: {  	s3 =	rddreg [dreg:$0x2];
	[bflag:$0x3] =	sbarrier.arrive $0xFFFF;
	s2 =	simm.s32 @!p0 $0x1C05  }
0x166: {  	[timem:s3], [sflag:s2] =	dma.local @!p0 [hbm:s0], s1  }
0x167: {  	s0 =	simm.s32 @!p0 $0x5  }
0x168: {  	_ =	swait.ge @!p0 [sflag:s0], s1  }
0x169: {  	s1 =	ssub.s32 @!p0 $0x0, s1;
	[sflag:s0] =	ssyncset.done @!p0 $0x0  }
0x16a: {  	[sflag:s0] =	ssyncadd.s32 @!p0 s1  }
0x16b: {  	[bflag:$0x3] =	sbarrier.arrive $0xFFFF  }
0x16c: {  	_ =	shalt  }

</sc_bundles>
